<compile_context>
chip_gen: v7x
topology: tpu7x:2x2x1
jax: 0.10.2.dev20260603
libtpu: 0.0.44.dev20260713+nightly
codegen_flags: <defaults>
</compile_context>

<pallas_src>
import functools

import jax
import jax.numpy as jnp
from jax import lax
from jax.experimental import pallas as pl
from jax.experimental.pallas import tpu as pltpu
from jax.experimental.pallas import tpu_sc as plsc

_N = 10000
_D = 128
_K = 1024
_LAMBDA = 0.5
_RB = 400
_NTOT = _N * _N
_W = 20000
_NWIN = _NTOT // _W
_NTILE = 32
_TMAX = (_NWIN + _NTILE - 1) // _NTILE
_VPW = _W // 16
_SUB = 2000
_NSUB = _W // _SUB
_VPS = _SUB // 16
_BUF = 4608
_NBKT = 65536

_sc_mesh = plsc.VectorSubcoreMesh(core_axis_name="c", subcore_axis_name="s")
_sc_params = pltpu.CompilerParams(needs_layout_passes=False)


def _matmul_body(z1_ref, z2_ref, s_ref):
    s_ref[...] = lax.dot_general(
        z1_ref[...], z2_ref[...], (((1,), (1,)), ((), ())),
        preferred_element_type=jnp.float32)


def _similarity(z1, z2):
    return pl.pallas_call(
        _matmul_body,
        grid=(_N // _RB,),
        in_specs=[pl.BlockSpec((_RB, _D), lambda i: (i, 0)),
                  pl.BlockSpec((_N, _D), lambda i: (0, 0))],
        out_specs=pl.BlockSpec((_RB, _N), lambda i: (i, 0)),
        out_shape=jax.ShapeDtypeStruct((_N, _N), jnp.float32),
    )(z1, z2)


def _wid():
    return lax.axis_index("s") * 2 + lax.axis_index("c")


def _bucket_of(v):
    b = lax.bitcast_convert_type(v, jnp.int32)
    key = b ^ (jnp.int32(0x7FFFFFFF) & (b >> 31))
    return lax.shift_right_logical(key, 16) ^ jnp.int32(0x8000)


_WSLOT = 176


@functools.partial(
    pl.kernel, mesh=_sc_mesh, compiler_params=_sc_params,
    out_type=(jax.ShapeDtypeStruct((_NTILE, _NBKT), jnp.float32),
              jax.ShapeDtypeStruct((_NTILE, _WSLOT), jnp.float32),
              jax.ShapeDtypeStruct((_NTILE, _WSLOT), jnp.float32)),
    scratch_types=[pltpu.VMEM((_NBKT,), jnp.float32),
                   pltpu.VMEM((_W,), jnp.float32),
                   pltpu.VMEM((_WSLOT,), jnp.float32),
                   pltpu.VMEM((_WSLOT,), jnp.float32)],
)
def _sweep_hist(s_hbm, out_hbm, wmax_hbm, wmin_hbm, hist, win, wmax, wmin):
    w = _wid()

    def init(j, c):
        hist[pl.ds(j * 16, 16)] = jnp.zeros((16,), jnp.float32)
        return c
    lax.fori_loop(0, _NBKT // 16, init, 0)

    def initw(j, c):
        wmax[pl.ds(j * 16, 16)] = jnp.full((16,), -jnp.inf, jnp.float32)
        wmin[pl.ds(j * 16, 16)] = jnp.full((16,), jnp.inf, jnp.float32)
        return c
    lax.fori_loop(0, _WSLOT // 16, initw, 0)

    ones = jnp.ones((16,), jnp.float32)
    lane0 = lax.iota(jnp.int32, 16) == 0

    def wbody(t, c):
        widx = w + t * _NTILE

        @pl.when(widx < _NWIN)
        def _():
            pltpu.sync_copy(s_hbm.at[pl.ds(widx * _W, _W)], win)

            def vbody(i, mm):
                amax, amin = mm
                for u in range(10):
                    v = win[pl.ds((i * 10 + u) * 16, 16)]
                    plsc.addupdate_scatter(hist, [_bucket_of(v)], ones)
                    amax = jnp.maximum(amax, v)
                    amin = jnp.minimum(amin, v)
                return amax, amin
            ninf = jnp.full((16,), -jnp.inf, jnp.float32)
            amax, amin = lax.fori_loop(0, _VPW // 10, vbody, (ninf, -ninf))
            smax = jnp.full((16,), jnp.max(amax), jnp.float32)
            smin = jnp.full((16,), jnp.min(amin), jnp.float32)
            plsc.store_compressed(wmax.at[pl.ds(t, 16)], smax, mask=lane0)
            plsc.store_compressed(wmin.at[pl.ds(t, 16)], smin, mask=lane0)
        return c

    lax.fori_loop(0, _TMAX, wbody, 0)
    pltpu.sync_copy(hist, out_hbm.at[w])
    pltpu.sync_copy(wmax, wmax_hbm.at[w])
    pltpu.sync_copy(wmin, wmin_hbm.at[w])


def _boundary_body(h_ref, wmax_ref, wmin_ref, bhi_ref, blo_ref, flags_ref):
    h = jnp.sum(h_ref[...].astype(jnp.int32), axis=0, keepdims=True)
    iota = lax.broadcasted_iota(jnp.int32, (1, _NBKT), 1)
    kk = jnp.int32(_K)

    def hi_body(i, b):
        trial = b | (jnp.int32(1) << (15 - i))
        cnt = jnp.sum(jnp.where(iota >= trial, h, 0))
        return jnp.where(cnt >= kk, trial, b)
    bhi = lax.fori_loop(0, 16, hi_body, jnp.int32(0))

    def lo_body(i, b):
        cand = b | ((jnp.int32(1) << (15 - i)) - 1)
        cnt = jnp.sum(jnp.where(iota <= cand, h, 0))
        return jnp.where(cnt >= kk, b, b | (jnp.int32(1) << (15 - i)))
    blo = lax.fori_loop(0, 16, lo_body, jnp.int32(0))

    bhi_ref[0] = bhi
    blo_ref[0] = blo

    def edge_f(u):
        kv = jnp.full(wmax_ref.shape, u, jnp.int32) ^ jnp.int32(-2147483648)
        bv = jnp.where(kv >= 0, kv, kv ^ jnp.int32(0x7FFFFFFF))
        return lax.bitcast_convert_type(bv, jnp.float32)

    f_hi = edge_f(bhi << 16)
    f_lo = edge_f((blo << 16) | jnp.int32(0xFFFF))
    need = (wmax_ref[...] >= f_hi) | (wmin_ref[...] <= f_lo)
    flags_ref[...] = jnp.where(need, 1, 0).astype(jnp.int32)


def _boundaries(hists, wmax, wmin):
    return pl.pallas_call(
        _boundary_body,
        out_specs=(pl.BlockSpec(memory_space=pltpu.SMEM),
                   pl.BlockSpec(memory_space=pltpu.SMEM),
                   pl.BlockSpec((_NTILE, _WSLOT), lambda: (0, 0))),
        out_shape=(jax.ShapeDtypeStruct((1,), jnp.int32),
                   jax.ShapeDtypeStruct((1,), jnp.int32),
                   jax.ShapeDtypeStruct((_NTILE, _WSLOT), jnp.int32)),
    )(hists, wmax, wmin)


@functools.partial(
    pl.kernel, mesh=_sc_mesh, compiler_params=_sc_params,
    out_type=(jax.ShapeDtypeStruct((_NTILE, _BUF), jnp.float32),
              jax.ShapeDtypeStruct((_NTILE, _BUF), jnp.float32)),
    scratch_types=[pltpu.VMEM((_W,), jnp.float32),
                   pltpu.VMEM((_BUF,), jnp.float32),
                   pltpu.VMEM((_BUF,), jnp.float32),
                   pltpu.VMEM((16,), jnp.int32),
                   pltpu.VMEM((16,), jnp.int32),
                   pltpu.VMEM((_WSLOT,), jnp.int32),
                   pltpu.SMEM((2,), jnp.int32)],
)
def _sweep_collect(s_hbm, bhi_hbm, blo_hbm, flags_hbm, outh_hbm, outl_hbm,
                   win, bufh, bufl, bhi_v, blo_v, flags_v, cnts):
    w = _wid()
    pltpu.sync_copy(bhi_hbm, bhi_v)
    pltpu.sync_copy(blo_hbm, blo_v)
    pltpu.sync_copy(flags_hbm.at[w], flags_v)
    bhi = bhi_v[...]
    blo = blo_v[...]

    def inith(j, c):
        bufh[pl.ds(j * 16, 16)] = jnp.full((16,), -jnp.inf, jnp.float32)
        bufl[pl.ds(j * 16, 16)] = jnp.full((16,), jnp.inf, jnp.float32)
        return c
    lax.fori_loop(0, _BUF // 16, inith, 0)
    cnts[0] = jnp.int32(0)
    cnts[1] = jnp.int32(0)

    one16 = jnp.ones((16,), jnp.int32)
    zero16 = jnp.zeros((16,), jnp.int32)

    def wbody(t, c):
        widx = w + t * _NTILE
        flag = flags_v[pl.ds(t, 16)][0]

        @pl.when((widx < _NWIN) & (flag > 0))
        def _():
            pltpu.sync_copy(s_hbm.at[pl.ds(widx * _W, _W)], win)

            def sbody(s, c2):
                base = s * _SUB

                def cbody(r, accs):
                    ah, al = accs
                    for u in range(5):
                        bkt = _bucket_of(win[pl.ds(base + (r * 5 + u) * 16, 16)])
                        ah = ah + jnp.where(bkt >= bhi, one16, zero16)
                        al = al + jnp.where(bkt <= blo, one16, zero16)
                    return ah, al
                ah, al = lax.fori_loop(0, _VPS // 5, cbody, (zero16, zero16))
                ch = jnp.sum(ah)
                cl = jnp.sum(al)

                @pl.when(ch > 0)
                def _():
                    def hbody(r, c3):
                        v = win[pl.ds(base + r * 16, 16)]
                        m = _bucket_of(v) >= bhi
                        cnt = cnts[0]
                        cc = jnp.minimum(cnt, jnp.int32(_BUF - 16))
                        plsc.store_compressed(bufh.at[pl.ds(cc, 16)], v, mask=m)
                        pc = jnp.max(plsc.all_reduce_population_count(m))
                        cnts[0] = cnt + pc
                        return c3
                    lax.fori_loop(0, _VPS, hbody, 0)

                @pl.when(cl > 0)
                def _():
                    def lbody(r, c3):
                        v = win[pl.ds(base + r * 16, 16)]
                        m = _bucket_of(v) <= blo
                        cnt = cnts[1]
                        cc = jnp.minimum(cnt, jnp.int32(_BUF - 16))
                        plsc.store_compressed(bufl.at[pl.ds(cc, 16)], v, mask=m)
                        pc = jnp.max(plsc.all_reduce_population_count(m))
                        cnts[1] = cnt + pc
                        return c3
                    lax.fori_loop(0, _VPS, lbody, 0)
                return c2
            lax.fori_loop(0, _NSUB, sbody, 0)
        return c

    lax.fori_loop(0, _TMAX, wbody, 0)
    pltpu.sync_copy(bufh, outh_hbm.at[w])
    pltpu.sync_copy(bufl, outl_hbm.at[w])


def _final_body(ch_ref, cl_ref, z1_ref, z2_ref, out_ref):
    ch = ch_ref[...]
    cl = cl_ref[...]
    z1 = z1_ref[...]
    z2 = z2_ref[...]
    kk = jnp.int32(_K)

    def f_of_u(u):
        kv = jnp.full(ch.shape, u, jnp.int32) ^ jnp.int32(-2147483648)
        bv = jnp.where(kv >= 0, kv, kv ^ jnp.int32(0x7FFFFFFF))
        return lax.bitcast_convert_type(bv, jnp.float32)

    def hi_body(i, u):
        trial = u | (jnp.int32(1) << (31 - i))
        cnt = jnp.sum((ch >= f_of_u(trial)).astype(jnp.int32))
        return jnp.where(cnt >= kk, trial, u)
    uhi = lax.fori_loop(0, 32, hi_body, jnp.int32(0))
    tmat = f_of_u(uhi)
    v_t = jnp.max(tmat)
    sp_vt = jnp.max(jnp.logaddexp(0.0, tmat))
    gt = ch > tmat
    c_gt = jnp.sum(gt.astype(jnp.int32))
    sp_gt = jnp.sum(jnp.where(gt, jnp.logaddexp(0.0, ch), 0.0))
    x_gt = jnp.sum(jnp.where(gt, ch, 0.0))
    rem = (kk - c_gt).astype(jnp.float32)
    sum_sp_hi = sp_gt + rem * sp_vt
    sum_x_hi = x_gt + rem * v_t

    def f_of_u_l(u):
        kv = jnp.full(cl.shape, u, jnp.int32) ^ jnp.int32(-2147483648)
        bv = jnp.where(kv >= 0, kv, kv ^ jnp.int32(0x7FFFFFFF))
        return lax.bitcast_convert_type(bv, jnp.float32)

    def lo_body(i, u):
        cand = u | ((jnp.int32(1) << (31 - i)) - 1)
        cnt = jnp.sum((cl <= f_of_u_l(cand)).astype(jnp.int32))
        return jnp.where(cnt >= kk, u, u | (jnp.int32(1) << (31 - i)))
    ulo = lax.fori_loop(0, 32, lo_body, jnp.int32(0))
    tmat_l = f_of_u_l(ulo)
    v_b = jnp.max(tmat_l)
    sp_vb = jnp.max(jnp.logaddexp(0.0, tmat_l))
    lt = cl < tmat_l
    c_lt = jnp.sum(lt.astype(jnp.int32))
    sp_lt = jnp.sum(jnp.where(lt, jnp.logaddexp(0.0, cl), 0.0))
    rem_l = (kk - c_lt).astype(jnp.float32)
    sum_sp_lo = sp_lt + rem_l * sp_vb

    diag = jnp.sum(z1 * z2, axis=1, keepdims=True)
    sum_sp_diag = jnp.sum(jnp.logaddexp(0.0, diag))
    sum_diag = jnp.sum(diag)
    mse = jnp.mean((z1 - z2) ** 2)

    total_sp = sum_sp_hi + sum_sp_lo + sum_sp_diag
    pos_x = sum_x_hi + sum_diag
    loss = (total_sp - pos_x) / jnp.float32(_N + 2 * _K)
    loss = loss + jnp.float32(_LAMBDA) * mse * jnp.float32(_N)
    out_ref[0] = loss


def _finalize(cand_hi, cand_lo, z1, z2):
    return pl.pallas_call(
        _final_body,
        out_specs=pl.BlockSpec(memory_space=pltpu.SMEM),
        out_shape=jax.ShapeDtypeStruct((1,), jnp.float32),
    )(cand_hi, cand_lo, z1, z2)


def kernel(epoch, z1, z2):
    s = _similarity(z1, z2)
    s_flat = s.reshape(_NTOT)
    hists, wmax, wmin = _sweep_hist(s_flat)
    bhi, blo, flags = _boundaries(hists, wmax, wmin)
    bhi16 = jnp.full((16,), bhi[0], jnp.int32)
    blo16 = jnp.full((16,), blo[0], jnp.int32)
    cand_hi, cand_lo = _sweep_collect(s_flat, bhi16, blo16, flags)
    loss = _finalize(cand_hi, cand_lo, z1, z2)
    return loss[0]

# --- scband reference (transcript-rebuilt; emitter-appended) ---
"""Pipeline reference for scband-compute-loss-16389595201858 (READ-ONLY COPY).

The authoritative reference and input builder live on the scoring server;
editing this copy changes nothing except your own understanding.
"""

import jax, jax.numpy as jnp
import numpy as np

N = 10000
D = 128
TOP_K = 1024
TOP_L = 1024
LABMDA = 0.5


def setup_inputs(seed: int = 0) -> dict:
    key = jax.random.key(seed)
    k1, k2 = jax.random.split(key)
    z1 = jax.random.normal(k1, (N, D), dtype=jnp.float32)
    z2 = jax.random.normal(k2, (N, D), dtype=jnp.float32)
    return {"epoch": 1, "z1": z1, "z2": z2}


def _bce_with_logits_mean(logits, targets):
    # numerically-stable BCEWithLogitsLoss with mean reduction:
    # max(x,0) - x*y + log(1 + exp(-|x|)) == logaddexp(0, x) - x*y
    return jnp.mean(jnp.logaddexp(0.0, logits) - logits * targets)


def reference(epoch, z1, z2):
    # similarity = z1 @ z2.T  -> [n, n]
    similarity = jnp.matmul(z1, z2.T)
    # positive: diagonal entries
    pos_I_dis = jnp.diagonal(similarity)[None, :]  # [1, n]
    # to_sparse().values() on a dense random matrix keeps (a.s.) all entries -> flatten
    vals = similarity.reshape(1, -1)  # [1, n*n]
    # top_k largest (sorted descending)
    pos_dis, _ = jax.lax.top_k(vals, TOP_K)
    # top_l smallest (torch topk largest=False): negate, top_k, negate back
    neg_neg, _ = jax.lax.top_k(-vals, TOP_L)
    neg_dis = -neg_neg
    pos_all = jnp.concatenate([pos_I_dis, pos_dis], axis=1)  # [1, n+top_k]
    logits = jnp.concatenate([pos_all, neg_dis], axis=1)     # [1, n+top_k+top_l]
    lbl_1 = jnp.ones((1, pos_all.shape[1]), dtype=jnp.float32)
    lbl_0 = jnp.zeros((1, neg_dis.shape[1]), dtype=jnp.float32)
    targets = jnp.concatenate([lbl_1, lbl_0], axis=1)
    loss = _bce_with_logits_mean(logits, targets)
    loss = loss + LABMDA * jnp.mean((z1 - z2) ** 2) * N
    return loss

if __name__ == "__main__":
    import jax
    _d = setup_inputs()
    print(jax.jit(kernel)(*tuple(_d.values())))

</pallas_src>

<mosaic_0001>
#map = affine_map<(d0, d1) -> (0)>
#map1 = affine_map<(d0, d1) -> (0, 0)>
module attributes {stable_mosaic.version = 14 : i64} {
  func.func @_sweep_hist(%arg0: i32, %arg1: i32, %arg2: memref<100000000xf32, #tpu.memory_space<hbm>>, %arg3: memref<32x65536xf32, #tpu.memory_space<hbm>>, %arg4: memref<32x176xf32, #tpu.memory_space<hbm>>, %arg5: memref<32x176xf32, #tpu.memory_space<hbm>>, %arg6: memref<65536xf32, #tpu.memory_space<vmem>>, %arg7: memref<20000xf32, #tpu.memory_space<vmem>>, %arg8: memref<176xf32, #tpu.memory_space<vmem>>, %arg9: memref<176xf32, #tpu.memory_space<vmem>>) attributes {dimension_semantics = [#tpu.dimension_semantics<core_parallel>, #tpu.dimension_semantics<subcore_parallel>], iteration_bounds = array<i64: 2, 16>, scalar_prefetch = 0 : i64, scratch_operands = 4 : i64, tpu.core_type = #tpu.core_type<sc_vector_subcore>, window_params = [{transform_indices = #map}, {transform_indices = #map1}, {transform_indices = #map1}, {transform_indices = #map1}]} {
    %mul3A = arith.constant 2 : i32
    %mul3A_0 = arith.muli %arg1, %mul3A : i32
    %add3A = arith.addi %mul3A_0, %arg0 : i32
    %scan3A = arith.constant 0 : i32
    %scan3A_1 = arith.constant 0 : i32
    %scan3A_2 = arith.constant 4096 : i32
    %scan3A_3 = arith.addi %scan3A_1, %scan3A_2 : i32
    %scan3A_4 = arith.constant 1 : i32
    scf.for %scan3A_21 = %scan3A_1 to %scan3A_3 step %scan3A_4  : i32 {
      %broadcast_in_dim3A_22 = arith.constant 0.000000e+00 : f32
      %broadcast_in_dim3A_23 = vector.broadcast %broadcast_in_dim3A_22 : f32 to vector<16xf32>
      %mul3A_24 = arith.constant 16 : i32
      %mul3A_25 = arith.muli %scan3A_21, %mul3A_24 : i32
      %swap3A = arith.index_cast %mul3A_25 : i32 to index
      %swap3A_26 = tpu.vector_load %arg6[%swap3A] {strides = array<i32>} : memref<65536xf32, #tpu.memory_space<vmem>>, vector<16xf32>,
      tpu.vector_store %arg6[%swap3A], %broadcast_in_dim3A_23 {strides = array<i32>} : memref<65536xf32, #tpu.memory_space<vmem>>, vector<16xf32>,
    }
    %scan3A_5 = arith.constant 4096 : i32
    %scan3A_6 = arith.constant 0 : i32
    %scan3A_7 = arith.constant 0 : i32
    %scan3A_8 = arith.constant 11 : i32
    %scan3A_9 = arith.addi %scan3A_7, %scan3A_8 : i32
    %scan3A_10 = arith.constant 1 : i32
    scf.for %scan3A_21 = %scan3A_7 to %scan3A_9 step %scan3A_10  : i32 {
      %broadcast_in_dim3A_22 = arith.constant 0xFF800000 : f32
      %broadcast_in_dim3A_23 = vector.broadcast %broadcast_in_dim3A_22 : f32 to vector<16xf32>
      %mul3A_24 = arith.constant 16 : i32
      %mul3A_25 = arith.muli %scan3A_21, %mul3A_24 : i32
      %swap3A = arith.index_cast %mul3A_25 : i32 to index
      %swap3A_26 = tpu.vector_load %arg8[%swap3A] {strides = array<i32>} : memref<176xf32, #tpu.memory_space<vmem>>, vector<16xf32>,
      tpu.vector_store %arg8[%swap3A], %broadcast_in_dim3A_23 {strides = array<i32>} : memref<176xf32, #tpu.memory_space<vmem>>, vector<16xf32>,
      %broadcast_in_dim3A_27 = arith.constant 0x7F800000 : f32
      %broadcast_in_dim3A_28 = vector.broadcast %broadcast_in_dim3A_27 : f32 to vector<16xf32>
      %mul3A_29 = arith.constant 16 : i32
      %mul3A_30 = arith.muli %scan3A_21, %mul3A_29 : i32
      %swap3A_31 = arith.index_cast %mul3A_30 : i32 to index
      %swap3A_32 = tpu.vector_load %arg9[%swap3A_31] {strides = array<i32>} : memref<176xf32, #tpu.memory_space<vmem>>, vector<16xf32>,
      tpu.vector_store %arg9[%swap3A_31], %broadcast_in_dim3A_28 {strides = array<i32>} : memref<176xf32, #tpu.memory_space<vmem>>, vector<16xf32>,
    }
    %scan3A_11 = arith.constant 11 : i32
    %broadcast_in_dim3A = arith.constant 1.000000e+00 : f32
    %broadcast_in_dim3A_12 = vector.broadcast %broadcast_in_dim3A : f32 to vector<16xf32>
    %iota3A = tpu.iota {dimensions = array<i32: 0>} : vector<16xi32>
    %eq3A = arith.constant 0 : i32
    %eq3A_13 = vector.broadcast %eq3A : i32 to vector<16xi32>
    %eq3A_14 = arith.cmpi eq, %iota3A, %eq3A_13 : vector<16xi32>
    %scan3A_15 = arith.constant 0 : i32
    %scan3A_16 = arith.constant 0 : i32
    %scan3A_17 = arith.constant 157 : i32
    %scan3A_18 = arith.addi %scan3A_16, %scan3A_17 : i32
    %scan3A_19 = arith.constant 1 : i32
    scf.for %scan3A_21 = %scan3A_16 to %scan3A_18 step %scan3A_19  : i32 {
      %mul3A_22 = arith.constant 32 : i32
      %mul3A_23 = arith.muli %scan3A_21, %mul3A_22 : i32
      %add3A_24 = arith.addi %add3A, %mul3A_23 : i32
      %lt3A = arith.constant 5000 : i32
      %lt3A_25 = arith.cmpi slt, %add3A_24, %lt3A : i32
      %convert_element_type3A = arith.extui %lt3A_25 : i1 to i32
      %cond3A = arith.constant 0 : i32
      %cond3A_26 = arith.cmpi ne, %convert_element_type3A, %cond3A : i32
      scf.if %cond3A_26 {
        %mul3A_27 = arith.constant 20000 : i32
        %mul3A_28 = arith.muli %add3A_24, %mul3A_27 : i32
        "tpu.region"() ({
          %run_scoped3A = tpu.sem_alloc : memref<!tpu.dma_semaphore, #tpu.memory_space<semaphore_mem>>
          %dma_start3A = tpu.memref_slice %arg2[%mul3A_28] : memref<100000000xf32, #tpu.memory_space<hbm>> -> memref<20000xf32, #tpu.memory_space<hbm>>
          %dma_start3A_50 = tpu.memref_slice %arg2[%mul3A_28] : memref<100000000xf32, #tpu.memory_space<hbm>> -> memref<20000xf32, #tpu.memory_space<hbm>>
          tpu.enqueue_dma source(%dma_start3A_50 : memref<20000xf32, #tpu.memory_space<hbm>>) target(%arg7 : memref<20000xf32, #tpu.memory_space<vmem>>) target_semaphore(%run_scoped3A : memref<!tpu.dma_semaphore, #tpu.memory_space<semaphore_mem>>)
          %dma_wait3A = tpu.memref_slice %arg2[%mul3A_28] : memref<100000000xf32, #tpu.memory_space<hbm>> -> memref<20000xf32, #tpu.memory_space<hbm>>
          %dma_wait3A_51 = tpu.memref_slice %arg2[%mul3A_28] : memref<100000000xf32, #tpu.memory_space<hbm>> -> memref<20000xf32, #tpu.memory_space<hbm>>
          tpu.wait_dma2 semaphore(%run_scoped3A : memref<!tpu.dma_semaphore, #tpu.memory_space<semaphore_mem>>) src(%dma_wait3A_51 : memref<20000xf32, #tpu.memory_space<hbm>>) dst(%arg7 : memref<20000xf32, #tpu.memory_space<vmem>>)
          tpu.yield
        }) : () -> ()
        %broadcast_in_dim3A_29 = arith.constant 0xFF800000 : f32
        %broadcast_in_dim3A_30 = vector.broadcast %broadcast_in_dim3A_29 : f32 to vector<16xf32>
        %neg3A = arith.constant 0.000000e+00 : f32
        %neg3A_31 = vector.broadcast %neg3A : f32 to vector<16xf32>
        %neg3A_32 = arith.subf %neg3A_31, %broadcast_in_dim3A_30 : vector<16xf32>
        %scan3A_33 = arith.constant 0 : i32
        %scan3A_34 = arith.constant 125 : i32
        %scan3A_35 = arith.addi %scan3A_33, %scan3A_34 : i32
        %scan3A_36 = arith.constant 1 : i32
        %scan3A_37:2 = scf.for %scan3A_50 = %scan3A_33 to %scan3A_35 step %scan3A_36 iter_args(%scan3A_51 = %broadcast_in_dim3A_30, %scan3A_52 = %neg3A_32) -> (vector<16xf32>, vector<16xf32>)  : i32 {
          %mul3A_53 = arith.constant 10 : i32
          %mul3A_54 = arith.muli %scan3A_50, %mul3A_53 : i32
          %add3A_55 = arith.constant 0 : i32
          %add3A_56 = arith.addi %mul3A_54, %add3A_55 : i32
          %mul3A_57 = arith.constant 16 : i32
          %mul3A_58 = arith.muli %add3A_56, %mul3A_57 : i32
          %get3A = arith.index_cast %mul3A_58 : i32 to index
          %get3A_59 = tpu.vector_load %arg7[%get3A] {strides = array<i32>} : memref<20000xf32, #tpu.memory_space<vmem>>, vector<16xf32>,
          %bitcast_convert_type3A = tpu.bitcast %get3A_59 : vector<16xf32> -> vector<16xi32>
          %shift_right_arithmetic3A = arith.constant 31 : i32
          %shift_right_arithmetic3A_60 = vector.broadcast %shift_right_arithmetic3A : i32 to vector<16xi32>
          %shift_right_arithmetic3A_61 = arith.shrsi %bitcast_convert_type3A, %shift_right_arithmetic3A_60 : vector<16xi32>
          %and3A = arith.constant 2147483647 : i32
          %and3A_62 = vector.broadcast %and3A : i32 to vector<16xi32>
          %and3A_63 = arith.andi %and3A_62, %shift_right_arithmetic3A_61 : vector<16xi32>
          %xor3A = arith.xori %bitcast_convert_type3A, %and3A_63 : vector<16xi32>
          %shift_right_logical3A = arith.constant 16 : i32
          %shift_right_logical3A_64 = vector.broadcast %shift_right_logical3A : i32 to vector<16xi32>
          %shift_right_logical3A_65 = arith.shrui %xor3A, %shift_right_logical3A_64 : vector<16xi32>
          %xor3A_66 = arith.constant 32768 : i32
          %xor3A_67 = vector.broadcast %xor3A_66 : i32 to vector<16xi32>
          %xor3A_68 = arith.xori %shift_right_logical3A_65, %xor3A_67 : vector<16xi32>
          tpu.vector_store_idx %arg6[%xor3A_68], %broadcast_in_dim3A_12 {add = true} : memref<65536xf32, #tpu.memory_space<vmem>>[vector<16xi32>], vector<16xf32>,
          %max3A = arith.maximumf %scan3A_51, %get3A_59 : vector<16xf32>
          %min3A = arith.minimumf %scan3A_52, %get3A_59 : vector<16xf32>
          %mul3A_69 = arith.constant 10 : i32
          %mul3A_70 = arith.muli %scan3A_50, %mul3A_69 : i32
          %add3A_71 = arith.constant 1 : i32
          %add3A_72 = arith.addi %mul3A_70, %add3A_71 : i32
          %mul3A_73 = arith.constant 16 : i32
          %mul3A_74 = arith.muli %add3A_72, %mul3A_73 : i32
          %get3A_75 = arith.index_cast %mul3A_74 : i32 to index
          %get3A_76 = tpu.vector_load %arg7[%get3A_75] {strides = array<i32>} : memref<20000xf32, #tpu.memory_space<vmem>>, vector<16xf32>,
          %bitcast_convert_type3A_77 = tpu.bitcast %get3A_76 : vector<16xf32> -> vector<16xi32>
          %shift_right_arithmetic3A_78 = arith.constant 31 : i32
          %shift_right_arithmetic3A_79 = vector.broadcast %shift_right_arithmetic3A_78 : i32 to vector<16xi32>
          %shift_right_arithmetic3A_80 = arith.shrsi %bitcast_convert_type3A_77, %shift_right_arithmetic3A_79 : vector<16xi32>
          %and3A_81 = arith.constant 2147483647 : i32
          %and3A_82 = vector.broadcast %and3A_81 : i32 to vector<16xi32>
          %and3A_83 = arith.andi %and3A_82, %shift_right_arithmetic3A_80 : vector<16xi32>
          %xor3A_84 = arith.xori %bitcast_convert_type3A_77, %and3A_83 : vector<16xi32>
          %shift_right_logical3A_85 = arith.constant 16 : i32
          %shift_right_logical3A_86 = vector.broadcast %shift_right_logical3A_85 : i32 to vector<16xi32>
          %shift_right_logical3A_87 = arith.shrui %xor3A_84, %shift_right_logical3A_86 : vector<16xi32>
          %xor3A_88 = arith.constant 32768 : i32
          %xor3A_89 = vector.broadcast %xor3A_88 : i32 to vector<16xi32>
          %xor3A_90 = arith.xori %shift_right_logical3A_87, %xor3A_89 : vector<16xi32>
          tpu.vector_store_idx %arg6[%xor3A_90], %broadcast_in_dim3A_12 {add = true} : memref<65536xf32, #tpu.memory_space<vmem>>[vector<16xi32>], vector<16xf32>,
          %max3A_91 = arith.maximumf %max3A, %get3A_76 : vector<16xf32>
          %min3A_92 = arith.minimumf %min3A, %get3A_76 : vector<16xf32>
          %mul3A_93 = arith.constant 10 : i32
          %mul3A_94 = arith.muli %scan3A_50, %mul3A_93 : i32
          %add3A_95 = arith.constant 2 : i32
          %add3A_96 = arith.addi %mul3A_94, %add3A_95 : i32
          %mul3A_97 = arith.constant 16 : i32
          %mul3A_98 = arith.muli %add3A_96, %mul3A_97 : i32
          %get3A_99 = arith.index_cast %mul3A_98 : i32 to index
          %get3A_100 = tpu.vector_load %arg7[%get3A_99] {strides = array<i32>} : memref<20000xf32, #tpu.memory_space<vmem>>, vector<16xf32>,
          %bitcast_convert_type3A_101 = tpu.bitcast %get3A_100 : vector<16xf32> -> vector<16xi32>
          %shift_right_arithmetic3A_102 = arith.constant 31 : i32
          %shift_right_arithmetic3A_103 = vector.broadcast %shift_right_arithmetic3A_102 : i32 to vector<16xi32>
          %shift_right_arithmetic3A_104 = arith.shrsi %bitcast_convert_type3A_101, %shift_right_arithmetic3A_103 : vector<16xi32>
          %and3A_105 = arith.constant 2147483647 : i32
          %and3A_106 = vector.broadcast %and3A_105 : i32 to vector<16xi32>
          %and3A_107 = arith.andi %and3A_106, %shift_right_arithmetic3A_104 : vector<16xi32>
          %xor3A_108 = arith.xori %bitcast_convert_type3A_101, %and3A_107 : vector<16xi32>
          %shift_right_logical3A_109 = arith.constant 16 : i32
          %shift_right_logical3A_110 = vector.broadcast %shift_right_logical3A_109 : i32 to vector<16xi32>
          %shift_right_logical3A_111 = arith.shrui %xor3A_108, %shift_right_logical3A_110 : vector<16xi32>
          %xor3A_112 = arith.constant 32768 : i32
          %xor3A_113 = vector.broadcast %xor3A_112 : i32 to vector<16xi32>
          %xor3A_114 = arith.xori %shift_right_logical3A_111, %xor3A_113 : vector<16xi32>
          tpu.vector_store_idx %arg6[%xor3A_114], %broadcast_in_dim3A_12 {add = true} : memref<65536xf32, #tpu.memory_space<vmem>>[vector<16xi32>], vector<16xf32>,
          %max3A_115 = arith.maximumf %max3A_91, %get3A_100 : vector<16xf32>
          %min3A_116 = arith.minimumf %min3A_92, %get3A_100 : vector<16xf32>
          %mul3A_117 = arith.constant 10 : i32
          %mul3A_118 = arith.muli %scan3A_50, %mul3A_117 : i32
          %add3A_119 = arith.constant 3 : i32
          %add3A_120 = arith.addi %mul3A_118, %add3A_119 : i32
          %mul3A_121 = arith.constant 16 : i32
          %mul3A_122 = arith.muli %add3A_120, %mul3A_121 : i32
          %get3A_123 = arith.index_cast %mul3A_122 : i32 to index
          %get3A_124 = tpu.vector_load %arg7[%get3A_123] {strides = array<i32>} : memref<20000xf32, #tpu.memory_space<vmem>>, vector<16xf32>,
          %bitcast_convert_type3A_125 = tpu.bitcast %get3A_124 : vector<16xf32> -> vector<16xi32>
          %shift_right_arithmetic3A_126 = arith.constant 31 : i32
          %shift_right_arithmetic3A_127 = vector.broadcast %shift_right_arithmetic3A_126 : i32 to vector<16xi32>
          %shift_right_arithmetic3A_128 = arith.shrsi %bitcast_convert_type3A_125, %shift_right_arithmetic3A_127 : vector<16xi32>
          %and3A_129 = arith.constant 2147483647 : i32
          %and3A_130 = vector.broadcast %and3A_129 : i32 to vector<16xi32>
          %and3A_131 = arith.andi %and3A_130, %shift_right_arithmetic3A_128 : vector<16xi32>
          %xor3A_132 = arith.xori %bitcast_convert_type3A_125, %and3A_131 : vector<16xi32>
          %shift_right_logical3A_133 = arith.constant 16 : i32
          %shift_right_logical3A_134 = vector.broadcast %shift_right_logical3A_133 : i32 to vector<16xi32>
          %shift_right_logical3A_135 = arith.shrui %xor3A_132, %shift_right_logical3A_134 : vector<16xi32>
          %xor3A_136 = arith.constant 32768 : i32
          %xor3A_137 = vector.broadcast %xor3A_136 : i32 to vector<16xi32>
          %xor3A_138 = arith.xori %shift_right_logical3A_135, %xor3A_137 : vector<16xi32>
          tpu.vector_store_idx %arg6[%xor3A_138], %broadcast_in_dim3A_12 {add = true} : memref<65536xf32, #tpu.memory_space<vmem>>[vector<16xi32>], vector<16xf32>,
          %max3A_139 = arith.maximumf %max3A_115, %get3A_124 : vector<16xf32>
          %min3A_140 = arith.minimumf %min3A_116, %get3A_124 : vector<16xf32>
          %mul3A_141 = arith.constant 10 : i32
          %mul3A_142 = arith.muli %scan3A_50, %mul3A_141 : i32
          %add3A_143 = arith.constant 4 : i32
          %add3A_144 = arith.addi %mul3A_142, %add3A_143 : i32
          %mul3A_145 = arith.constant 16 : i32
          %mul3A_146 = arith.muli %add3A_144, %mul3A_145 : i32
          %get3A_147 = arith.index_cast %mul3A_146 : i32 to index
          %get3A_148 = tpu.vector_load %arg7[%get3A_147] {strides = array<i32>} : memref<20000xf32, #tpu.memory_space<vmem>>, vector<16xf32>,
          %bitcast_convert_type3A_149 = tpu.bitcast %get3A_148 : vector<16xf32> -> vector<16xi32>
          %shift_right_arithmetic3A_150 = arith.constant 31 : i32
          %shift_right_arithmetic3A_151 = vector.broadcast %shift_right_arithmetic3A_150 : i32 to vector<16xi32>
          %shift_right_arithmetic3A_152 = arith.shrsi %bitcast_convert_type3A_149, %shift_right_arithmetic3A_151 : vector<16xi32>
          %and3A_153 = arith.constant 2147483647 : i32
          %and3A_154 = vector.broadcast %and3A_153 : i32 to vector<16xi32>
          %and3A_155 = arith.andi %and3A_154, %shift_right_arithmetic3A_152 : vector<16xi32>
          %xor3A_156 = arith.xori %bitcast_convert_type3A_149, %and3A_155 : vector<16xi32>
          %shift_right_logical3A_157 = arith.constant 16 : i32
          %shift_right_logical3A_158 = vector.broadcast %shift_right_logical3A_157 : i32 to vector<16xi32>
          %shift_right_logical3A_159 = arith.shrui %xor3A_156, %shift_right_logical3A_158 : vector<16xi32>
          %xor3A_160 = arith.constant 32768 : i32
          %xor3A_161 = vector.broadcast %xor3A_160 : i32 to vector<16xi32>
          %xor3A_162 = arith.xori %shift_right_logical3A_159, %xor3A_161 : vector<16xi32>
          tpu.vector_store_idx %arg6[%xor3A_162], %broadcast_in_dim3A_12 {add = true} : memref<65536xf32, #tpu.memory_space<vmem>>[vector<16xi32>], vector<16xf32>,
          %max3A_163 = arith.maximumf %max3A_139, %get3A_148 : vector<16xf32>
          %min3A_164 = arith.minimumf %min3A_140, %get3A_148 : vector<16xf32>
          %mul3A_165 = arith.constant 10 : i32
          %mul3A_166 = arith.muli %scan3A_50, %mul3A_165 : i32
          %add3A_167 = arith.constant 5 : i32
          %add3A_168 = arith.addi %mul3A_166, %add3A_167 : i32
          %mul3A_169 = arith.constant 16 : i32
          %mul3A_170 = arith.muli %add3A_168, %mul3A_169 : i32
          %get3A_171 = arith.index_cast %mul3A_170 : i32 to index
          %get3A_172 = tpu.vector_load %arg7[%get3A_171] {strides = array<i32>} : memref<20000xf32, #tpu.memory_space<vmem>>, vector<16xf32>,
          %bitcast_convert_type3A_173 = tpu.bitcast %get3A_172 : vector<16xf32> -> vector<16xi32>
          %shift_right_arithmetic3A_174 = arith.constant 31 : i32
          %shift_right_arithmetic3A_175 = vector.broadcast %shift_right_arithmetic3A_174 : i32 to vector<16xi32>
          %shift_right_arithmetic3A_176 = arith.shrsi %bitcast_convert_type3A_173, %shift_right_arithmetic3A_175 : vector<16xi32>
          %and3A_177 = arith.constant 2147483647 : i32
          %and3A_178 = vector.broadcast %and3A_177 : i32 to vector<16xi32>
          %and3A_179 = arith.andi %and3A_178, %shift_right_arithmetic3A_176 : vector<16xi32>
          %xor3A_180 = arith.xori %bitcast_convert_type3A_173, %and3A_179 : vector<16xi32>
          %shift_right_logical3A_181 = arith.constant 16 : i32
          %shift_right_logical3A_182 = vector.broadcast %shift_right_logical3A_181 : i32 to vector<16xi32>
          %shift_right_logical3A_183 = arith.shrui %xor3A_180, %shift_right_logical3A_182 : vector<16xi32>
          %xor3A_184 = arith.constant 32768 : i32
          %xor3A_185 = vector.broadcast %xor3A_184 : i32 to vector<16xi32>
          %xor3A_186 = arith.xori %shift_right_logical3A_183, %xor3A_185 : vector<16xi32>
          tpu.vector_store_idx %arg6[%xor3A_186], %broadcast_in_dim3A_12 {add = true} : memref<65536xf32, #tpu.memory_space<vmem>>[vector<16xi32>], vector<16xf32>,
          %max3A_187 = arith.maximumf %max3A_163, %get3A_172 : vector<16xf32>
          %min3A_188 = arith.minimumf %min3A_164, %get3A_172 : vector<16xf32>
          %mul3A_189 = arith.constant 10 : i32
          %mul3A_190 = arith.muli %scan3A_50, %mul3A_189 : i32
          %add3A_191 = arith.constant 6 : i32
          %add3A_192 = arith.addi %mul3A_190, %add3A_191 : i32
          %mul3A_193 = arith.constant 16 : i32
          %mul3A_194 = arith.muli %add3A_192, %mul3A_193 : i32
          %get3A_195 = arith.index_cast %mul3A_194 : i32 to index
          %get3A_196 = tpu.vector_load %arg7[%get3A_195] {strides = array<i32>} : memref<20000xf32, #tpu.memory_space<vmem>>, vector<16xf32>,
          %bitcast_convert_type3A_197 = tpu.bitcast %get3A_196 : vector<16xf32> -> vector<16xi32>
          %shift_right_arithmetic3A_198 = arith.constant 31 : i32
          %shift_right_arithmetic3A_199 = vector.broadcast %shift_right_arithmetic3A_198 : i32 to vector<16xi32>
          %shift_right_arithmetic3A_200 = arith.shrsi %bitcast_convert_type3A_197, %shift_right_arithmetic3A_199 : vector<16xi32>
          %and3A_201 = arith.constant 2147483647 : i32
          %and3A_202 = vector.broadcast %and3A_201 : i32 to vector<16xi32>
          %and3A_203 = arith.andi %and3A_202, %shift_right_arithmetic3A_200 : vector<16xi32>
          %xor3A_204 = arith.xori %bitcast_convert_type3A_197, %and3A_203 : vector<16xi32>
          %shift_right_logical3A_205 = arith.constant 16 : i32
          %shift_right_logical3A_206 = vector.broadcast %shift_right_logical3A_205 : i32 to vector<16xi32>
          %shift_right_logical3A_207 = arith.shrui %xor3A_204, %shift_right_logical3A_206 : vector<16xi32>
          %xor3A_208 = arith.constant 32768 : i32
          %xor3A_209 = vector.broadcast %xor3A_208 : i32 to vector<16xi32>
          %xor3A_210 = arith.xori %shift_right_logical3A_207, %xor3A_209 : vector<16xi32>
          tpu.vector_store_idx %arg6[%xor3A_210], %broadcast_in_dim3A_12 {add = true} : memref<65536xf32, #tpu.memory_space<vmem>>[vector<16xi32>], vector<16xf32>,
          %max3A_211 = arith.maximumf %max3A_187, %get3A_196 : vector<16xf32>
          %min3A_212 = arith.minimumf %min3A_188, %get3A_196 : vector<16xf32>
          %mul3A_213 = arith.constant 10 : i32
          %mul3A_214 = arith.muli %scan3A_50, %mul3A_213 : i32
          %add3A_215 = arith.constant 7 : i32
          %add3A_216 = arith.addi %mul3A_214, %add3A_215 : i32
          %mul3A_217 = arith.constant 16 : i32
          %mul3A_218 = arith.muli %add3A_216, %mul3A_217 : i32
          %get3A_219 = arith.index_cast %mul3A_218 : i32 to index
          %get3A_220 = tpu.vector_load %arg7[%get3A_219] {strides = array<i32>} : memref<20000xf32, #tpu.memory_space<vmem>>, vector<16xf32>,
          %bitcast_convert_type3A_221 = tpu.bitcast %get3A_220 : vector<16xf32> -> vector<16xi32>
          %shift_right_arithmetic3A_222 = arith.constant 31 : i32
          %shift_right_arithmetic3A_223 = vector.broadcast %shift_right_arithmetic3A_222 : i32 to vector<16xi32>
          %shift_right_arithmetic3A_224 = arith.shrsi %bitcast_convert_type3A_221, %shift_right_arithmetic3A_223 : vector<16xi32>
          %and3A_225 = arith.constant 2147483647 : i32
          %and3A_226 = vector.broadcast %and3A_225 : i32 to vector<16xi32>
          %and3A_227 = arith.andi %and3A_226, %shift_right_arithmetic3A_224 : vector<16xi32>
          %xor3A_228 = arith.xori %bitcast_convert_type3A_221, %and3A_227 : vector<16xi32>
          %shift_right_logical3A_229 = arith.constant 16 : i32
          %shift_right_logical3A_230 = vector.broadcast %shift_right_logical3A_229 : i32 to vector<16xi32>
          %shift_right_logical3A_231 = arith.shrui %xor3A_228, %shift_right_logical3A_230 : vector<16xi32>
          %xor3A_232 = arith.constant 32768 : i32
          %xor3A_233 = vector.broadcast %xor3A_232 : i32 to vector<16xi32>
          %xor3A_234 = arith.xori %shift_right_logical3A_231, %xor3A_233 : vector<16xi32>
          tpu.vector_store_idx %arg6[%xor3A_234], %broadcast_in_dim3A_12 {add = true} : memref<65536xf32, #tpu.memory_space<vmem>>[vector<16xi32>], vector<16xf32>,
          %max3A_235 = arith.maximumf %max3A_211, %get3A_220 : vector<16xf32>
          %min3A_236 = arith.minimumf %min3A_212, %get3A_220 : vector<16xf32>
          %mul3A_237 = arith.constant 10 : i32
          %mul3A_238 = arith.muli %scan3A_50, %mul3A_237 : i32
          %add3A_239 = arith.constant 8 : i32
          %add3A_240 = arith.addi %mul3A_238, %add3A_239 : i32
          %mul3A_241 = arith.constant 16 : i32
          %mul3A_242 = arith.muli %add3A_240, %mul3A_241 : i32
          %get3A_243 = arith.index_cast %mul3A_242 : i32 to index
          %get3A_244 = tpu.vector_load %arg7[%get3A_243] {strides = array<i32>} : memref<20000xf32, #tpu.memory_space<vmem>>, vector<16xf32>,
          %bitcast_convert_type3A_245 = tpu.bitcast %get3A_244 : vector<16xf32> -> vector<16xi32>
          %shift_right_arithmetic3A_246 = arith.constant 31 : i32
          %shift_right_arithmetic3A_247 = vector.broadcast %shift_right_arithmetic3A_246 : i32 to vector<16xi32>
          %shift_right_arithmetic3A_248 = arith.shrsi %bitcast_convert_type3A_245, %shift_right_arithmetic3A_247 : vector<16xi32>
          %and3A_249 = arith.constant 2147483647 : i32
          %and3A_250 = vector.broadcast %and3A_249 : i32 to vector<16xi32>
          %and3A_251 = arith.andi %and3A_250, %shift_right_arithmetic3A_248 : vector<16xi32>
          %xor3A_252 = arith.xori %bitcast_convert_type3A_245, %and3A_251 : vector<16xi32>
          %shift_right_logical3A_253 = arith.constant 16 : i32
          %shift_right_logical3A_254 = vector.broadcast %shift_right_logical3A_253 : i32 to vector<16xi32>
          %shift_right_logical3A_255 = arith.shrui %xor3A_252, %shift_right_logical3A_254 : vector<16xi32>
          %xor3A_256 = arith.constant 32768 : i32
          %xor3A_257 = vector.broadcast %xor3A_256 : i32 to vector<16xi32>
          %xor3A_258 = arith.xori %shift_right_logical3A_255, %xor3A_257 : vector<16xi32>
          tpu.vector_store_idx %arg6[%xor3A_258], %broadcast_in_dim3A_12 {add = true} : memref<65536xf32, #tpu.memory_space<vmem>>[vector<16xi32>], vector<16xf32>,
          %max3A_259 = arith.maximumf %max3A_235, %get3A_244 : vector<16xf32>
          %min3A_260 = arith.minimumf %min3A_236, %get3A_244 : vector<16xf32>
          %mul3A_261 = arith.constant 10 : i32
          %mul3A_262 = arith.muli %scan3A_50, %mul3A_261 : i32
          %add3A_263 = arith.constant 9 : i32
          %add3A_264 = arith.addi %mul3A_262, %add3A_263 : i32
          %mul3A_265 = arith.constant 16 : i32
          %mul3A_266 = arith.muli %add3A_264, %mul3A_265 : i32
          %get3A_267 = arith.index_cast %mul3A_266 : i32 to index
          %get3A_268 = tpu.vector_load %arg7[%get3A_267] {strides = array<i32>} : memref<20000xf32, #tpu.memory_space<vmem>>, vector<16xf32>,
          %bitcast_convert_type3A_269 = tpu.bitcast %get3A_268 : vector<16xf32> -> vector<16xi32>
          %shift_right_arithmetic3A_270 = arith.constant 31 : i32
          %shift_right_arithmetic3A_271 = vector.broadcast %shift_right_arithmetic3A_270 : i32 to vector<16xi32>
          %shift_right_arithmetic3A_272 = arith.shrsi %bitcast_convert_type3A_269, %shift_right_arithmetic3A_271 : vector<16xi32>
          %and3A_273 = arith.constant 2147483647 : i32
          %and3A_274 = vector.broadcast %and3A_273 : i32 to vector<16xi32>
          %and3A_275 = arith.andi %and3A_274, %shift_right_arithmetic3A_272 : vector<16xi32>
          %xor3A_276 = arith.xori %bitcast_convert_type3A_269, %and3A_275 : vector<16xi32>
          %shift_right_logical3A_277 = arith.constant 16 : i32
          %shift_right_logical3A_278 = vector.broadcast %shift_right_logical3A_277 : i32 to vector<16xi32>
          %shift_right_logical3A_279 = arith.shrui %xor3A_276, %shift_right_logical3A_278 : vector<16xi32>
          %xor3A_280 = arith.constant 32768 : i32
          %xor3A_281 = vector.broadcast %xor3A_280 : i32 to vector<16xi32>
          %xor3A_282 = arith.xori %shift_right_logical3A_279, %xor3A_281 : vector<16xi32>
          tpu.vector_store_idx %arg6[%xor3A_282], %broadcast_in_dim3A_12 {add = true} : memref<65536xf32, #tpu.memory_space<vmem>>[vector<16xi32>], vector<16xf32>,
          %max3A_283 = arith.maximumf %max3A_259, %get3A_268 : vector<16xf32>
          %min3A_284 = arith.minimumf %min3A_260, %get3A_268 : vector<16xf32>
          scf.yield %max3A_283, %min3A_284 : vector<16xf32>, vector<16xf32>
        }
        %scan3A_38 = arith.constant 125 : i32
        %reduce_max3A = arith.constant true
        %reduce_max3A_39 = vector.broadcast %reduce_max3A : i1 to vector<16xi1>
        %reduce_max3A_40 = tpu.scan <max>, %scan3A_37#0 masked %reduce_max3A_39 : vector<16xf32>, vector<16xi1> -> vector<16xf32>
        %reduce_max3A_41 = vector.extract %reduce_max3A_40[15] : f32 from vector<16xf32>
        %broadcast_in_dim3A_42 = vector.broadcast %reduce_max3A_41 : f32 to vector<16xf32>
        %reduce_min3A = arith.constant true
        %reduce_min3A_43 = vector.broadcast %reduce_min3A : i1 to vector<16xi1>
        %reduce_min3A_44 = tpu.scan <min>, %scan3A_37#1 masked %reduce_min3A_43 : vector<16xf32>, vector<16xi1> -> vector<16xf32>
        %reduce_min3A_45 = vector.extract %reduce_min3A_44[15] : f32 from vector<16xf32>
        %broadcast_in_dim3A_46 = vector.broadcast %reduce_min3A_45 : f32 to vector<16xf32>
        %swap3A = arith.index_cast %scan3A_21 : i32 to index
        %swap3A_47 = tpu.vector_load %arg8[%swap3A] masked %eq3A_14 {strides = array<i32>} : memref<176xf32, #tpu.memory_space<vmem>>, vector<16xf32>, vector<16xi1>
        tpu.vector_store %arg8[%swap3A], %broadcast_in_dim3A_42 masked %eq3A_14 {strides = array<i32>} : memref<176xf32, #tpu.memory_space<vmem>>, vector<16xf32>, vector<16xi1>
        %swap3A_48 = arith.index_cast %scan3A_21 : i32 to index
        %swap3A_49 = tpu.vector_load %arg9[%swap3A_48] masked %eq3A_14 {strides = array<i32>} : memref<176xf32, #tpu.memory_space<vmem>>, vector<16xf32>, vector<16xi1>
        tpu.vector_store %arg9[%swap3A_48], %broadcast_in_dim3A_46 masked %eq3A_14 {strides = array<i32>} : memref<176xf32, #tpu.memory_space<vmem>>, vector<16xf32>, vector<16xi1>
      } else {
      }
    }
    %scan3A_20 = arith.constant 157 : i32
    "tpu.region"() ({
      %run_scoped3A = tpu.sem_alloc : memref<!tpu.dma_semaphore, #tpu.memory_space<semaphore_mem>>
      %dma_start3A = arith.constant 0 : i32
      %dma_start3A_21 = tpu.memref_slice %arg3[%add3A, %dma_start3A] : memref<32x65536xf32, #tpu.memory_space<hbm>> -> memref<1x65536xf32, #tpu.memory_space<hbm>>
      %dma_start3A_22 = tpu.memref_squeeze %dma_start3A_21 : memref<1x65536xf32, #tpu.memory_space<hbm>> -> memref<65536xf32, #tpu.memory_space<hbm>>
      %dma_start3A_23 = arith.constant 0 : i32
      %dma_start3A_24 = tpu.memref_slice %arg3[%add3A, %dma_start3A_23] : memref<32x65536xf32, #tpu.memory_space<hbm>> -> memref<1x65536xf32, #tpu.memory_space<hbm>>
      %dma_start3A_25 = tpu.memref_squeeze %dma_start3A_24 : memref<1x65536xf32, #tpu.memory_space<hbm>> -> memref<65536xf32, #tpu.memory_space<hbm>>
      tpu.enqueue_dma source(%arg6 : memref<65536xf32, #tpu.memory_space<vmem>>) target(%dma_start3A_25 : memref<65536xf32, #tpu.memory_space<hbm>>) target_semaphore(%run_scoped3A : memref<!tpu.dma_semaphore, #tpu.memory_space<semaphore_mem>>)
      %dma_wait3A = arith.constant 0 : i32
      %dma_wait3A_26 = tpu.memref_slice %arg3[%add3A, %dma_wait3A] : memref<32x65536xf32, #tpu.memory_space<hbm>> -> memref<1x65536xf32, #tpu.memory_space<hbm>>
      %dma_wait3A_27 = tpu.memref_squeeze %dma_wait3A_26 : memref<1x65536xf32, #tpu.memory_space<hbm>> -> memref<65536xf32, #tpu.memory_space<hbm>>
      %dma_wait3A_28 = arith.constant 0 : i32
      %dma_wait3A_29 = tpu.memref_slice %arg3[%add3A, %dma_wait3A_28] : memref<32x65536xf32, #tpu.memory_space<hbm>> -> memref<1x65536xf32, #tpu.memory_space<hbm>>
      %dma_wait3A_30 = tpu.memref_squeeze %dma_wait3A_29 : memref<1x65536xf32, #tpu.memory_space<hbm>> -> memref<65536xf32, #tpu.memory_space<hbm>>
      tpu.wait_dma2 semaphore(%run_scoped3A : memref<!tpu.dma_semaphore, #tpu.memory_space<semaphore_mem>>) src(%arg6 : memref<65536xf32, #tpu.memory_space<vmem>>) dst(%dma_wait3A_30 : memref<65536xf32, #tpu.memory_space<hbm>>)
      tpu.yield
    }) : () -> ()
    "tpu.region"() ({
      %run_scoped3A = tpu.sem_alloc : memref<!tpu.dma_semaphore, #tpu.memory_space<semaphore_mem>>
      %dma_start3A = arith.constant 0 : i32
      %dma_start3A_21 = tpu.memref_slice %arg4[%add3A, %dma_start3A] : memref<32x176xf32, #tpu.memory_space<hbm>> -> memref<1x176xf32, #tpu.memory_space<hbm>>
      %dma_start3A_22 = tpu.memref_squeeze %dma_start3A_21 : memref<1x176xf32, #tpu.memory_space<hbm>> -> memref<176xf32, #tpu.memory_space<hbm>>
      %dma_start3A_23 = arith.constant 0 : i32
      %dma_start3A_24 = tpu.memref_slice %arg4[%add3A, %dma_start3A_23] : memref<32x176xf32, #tpu.memory_space<hbm>> -> memref<1x176xf32, #tpu.memory_space<hbm>>
      %dma_start3A_25 = tpu.memref_squeeze %dma_start3A_24 : memref<1x176xf32, #tpu.memory_space<hbm>> -> memref<176xf32, #tpu.memory_space<hbm>>
      tpu.enqueue_dma source(%arg8 : memref<176xf32, #tpu.memory_space<vmem>>) target(%dma_start3A_25 : memref<176xf32, #tpu.memory_space<hbm>>) target_semaphore(%run_scoped3A : memref<!tpu.dma_semaphore, #tpu.memory_space<semaphore_mem>>)
      %dma_wait3A = arith.constant 0 : i32
      %dma_wait3A_26 = tpu.memref_slice %arg4[%add3A, %dma_wait3A] : memref<32x176xf32, #tpu.memory_space<hbm>> -> memref<1x176xf32, #tpu.memory_space<hbm>>
      %dma_wait3A_27 = tpu.memref_squeeze %dma_wait3A_26 : memref<1x176xf32, #tpu.memory_space<hbm>> -> memref<176xf32, #tpu.memory_space<hbm>>
      %dma_wait3A_28 = arith.constant 0 : i32
      %dma_wait3A_29 = tpu.memref_slice %arg4[%add3A, %dma_wait3A_28] : memref<32x176xf32, #tpu.memory_space<hbm>> -> memref<1x176xf32, #tpu.memory_space<hbm>>
      %dma_wait3A_30 = tpu.memref_squeeze %dma_wait3A_29 : memref<1x176xf32, #tpu.memory_space<hbm>> -> memref<176xf32, #tpu.memory_space<hbm>>
      tpu.wait_dma2 semaphore(%run_scoped3A : memref<!tpu.dma_semaphore, #tpu.memory_space<semaphore_mem>>) src(%arg8 : memref<176xf32, #tpu.memory_space<vmem>>) dst(%dma_wait3A_30 : memref<176xf32, #tpu.memory_space<hbm>>)
      tpu.yield
    }) : () -> ()
    "tpu.region"() ({
      %run_scoped3A = tpu.sem_alloc : memref<!tpu.dma_semaphore, #tpu.memory_space<semaphore_mem>>
      %dma_start3A = arith.constant 0 : i32
      %dma_start3A_21 = tpu.memref_slice %arg5[%add3A, %dma_start3A] : memref<32x176xf32, #tpu.memory_space<hbm>> -> memref<1x176xf32, #tpu.memory_space<hbm>>
      %dma_start3A_22 = tpu.memref_squeeze %dma_start3A_21 : memref<1x176xf32, #tpu.memory_space<hbm>> -> memref<176xf32, #tpu.memory_space<hbm>>
      %dma_start3A_23 = arith.constant 0 : i32
      %dma_start3A_24 = tpu.memref_slice %arg5[%add3A, %dma_start3A_23] : memref<32x176xf32, #tpu.memory_space<hbm>> -> memref<1x176xf32, #tpu.memory_space<hbm>>
      %dma_start3A_25 = tpu.memref_squeeze %dma_start3A_24 : memref<1x176xf32, #tpu.memory_space<hbm>> -> memref<176xf32, #tpu.memory_space<hbm>>
      tpu.enqueue_dma source(%arg9 : memref<176xf32, #tpu.memory_space<vmem>>) target(%dma_start3A_25 : memref<176xf32, #tpu.memory_space<hbm>>) target_semaphore(%run_scoped3A : memref<!tpu.dma_semaphore, #tpu.memory_space<semaphore_mem>>)
      %dma_wait3A = arith.constant 0 : i32
      %dma_wait3A_26 = tpu.memref_slice %arg5[%add3A, %dma_wait3A] : memref<32x176xf32, #tpu.memory_space<hbm>> -> memref<1x176xf32, #tpu.memory_space<hbm>>
      %dma_wait3A_27 = tpu.memref_squeeze %dma_wait3A_26 : memref<1x176xf32, #tpu.memory_space<hbm>> -> memref<176xf32, #tpu.memory_space<hbm>>
      %dma_wait3A_28 = arith.constant 0 : i32
      %dma_wait3A_29 = tpu.memref_slice %arg5[%add3A, %dma_wait3A_28] : memref<32x176xf32, #tpu.memory_space<hbm>> -> memref<1x176xf32, #tpu.memory_space<hbm>>
      %dma_wait3A_30 = tpu.memref_squeeze %dma_wait3A_29 : memref<1x176xf32, #tpu.memory_space<hbm>> -> memref<176xf32, #tpu.memory_space<hbm>>
      tpu.wait_dma2 semaphore(%run_scoped3A : memref<!tpu.dma_semaphore, #tpu.memory_space<semaphore_mem>>) src(%arg9 : memref<176xf32, #tpu.memory_space<vmem>>) dst(%dma_wait3A_30 : memref<176xf32, #tpu.memory_space<hbm>>)
      tpu.yield
    }) : () -> ()
    return
  }
}

#map = affine_map<(d0, d1) -> (0)>
#map1 = affine_map<(d0, d1) -> (0, 0)>
module attributes {stable_mosaic.version = 14 : i64} {
  func.func @_sweep_collect(%arg0: i32, %arg1: i32, %arg2: memref<100000000xf32, #tpu.memory_space<hbm>>, %arg3: memref<16xi32, #tpu.memory_space<hbm>>, %arg4: memref<16xi32, #tpu.memory_space<hbm>>, %arg5: memref<32x176xi32, #tpu.memory_space<hbm>>, %arg6: memref<32x4608xf32, #tpu.memory_space<hbm>>, %arg7: memref<32x4608xf32, #tpu.memory_space<hbm>>, %arg8: memref<20000xf32, #tpu.memory_space<vmem>>, %arg9: memref<4608xf32, #tpu.memory_space<vmem>>, %arg10: memref<4608xf32, #tpu.memory_space<vmem>>, %arg11: memref<16xi32, #tpu.memory_space<vmem>>, %arg12: memref<16xi32, #tpu.memory_space<vmem>>, %arg13: memref<176xi32, #tpu.memory_space<vmem>>, %arg14: memref<2xi32, #tpu.memory_space<smem>>) attributes {dimension_semantics = [#tpu.dimension_semantics<core_parallel>, #tpu.dimension_semantics<subcore_parallel>], iteration_bounds = array<i64: 2, 16>, scalar_prefetch = 0 : i64, scratch_operands = 7 : i64, tpu.core_type = #tpu.core_type<sc_vector_subcore>, window_params = [{transform_indices = #map}, {transform_indices = #map}, {transform_indices = #map}, {transform_indices = #map1}, {transform_indices = #map1}, {transform_indices = #map1}]} {
    %mul3A = arith.constant 2 : i32
    %mul3A_0 = arith.muli %arg1, %mul3A : i32
    %add3A = arith.addi %mul3A_0, %arg0 : i32
    "tpu.region"() ({
      %run_scoped3A = tpu.sem_alloc : memref<!tpu.dma_semaphore, #tpu.memory_space<semaphore_mem>>
      tpu.enqueue_dma source(%arg3 : memref<16xi32, #tpu.memory_space<hbm>>) target(%arg11 : memref<16xi32, #tpu.memory_space<vmem>>) target_semaphore(%run_scoped3A : memref<!tpu.dma_semaphore, #tpu.memory_space<semaphore_mem>>)
      tpu.wait_dma2 semaphore(%run_scoped3A : memref<!tpu.dma_semaphore, #tpu.memory_space<semaphore_mem>>) src(%arg3 : memref<16xi32, #tpu.memory_space<hbm>>) dst(%arg11 : memref<16xi32, #tpu.memory_space<vmem>>)
      tpu.yield
    }) : () -> ()
    "tpu.region"() ({
      %run_scoped3A = tpu.sem_alloc : memref<!tpu.dma_semaphore, #tpu.memory_space<semaphore_mem>>
      tpu.enqueue_dma source(%arg4 : memref<16xi32, #tpu.memory_space<hbm>>) target(%arg12 : memref<16xi32, #tpu.memory_space<vmem>>) target_semaphore(%run_scoped3A : memref<!tpu.dma_semaphore, #tpu.memory_space<semaphore_mem>>)
      tpu.wait_dma2 semaphore(%run_scoped3A : memref<!tpu.dma_semaphore, #tpu.memory_space<semaphore_mem>>) src(%arg4 : memref<16xi32, #tpu.memory_space<hbm>>) dst(%arg12 : memref<16xi32, #tpu.memory_space<vmem>>)
      tpu.yield
    }) : () -> ()
    "tpu.region"() ({
      %run_scoped3A = tpu.sem_alloc : memref<!tpu.dma_semaphore, #tpu.memory_space<semaphore_mem>>
      %dma_start3A = arith.constant 0 : i32
      %dma_start3A_25 = tpu.memref_slice %arg5[%add3A, %dma_start3A] : memref<32x176xi32, #tpu.memory_space<hbm>> -> memref<1x176xi32, #tpu.memory_space<hbm>>
      %dma_start3A_26 = tpu.memref_squeeze %dma_start3A_25 : memref<1x176xi32, #tpu.memory_space<hbm>> -> memref<176xi32, #tpu.memory_space<hbm>>
      %dma_start3A_27 = arith.constant 0 : i32
      %dma_start3A_28 = tpu.memref_slice %arg5[%add3A, %dma_start3A_27] : memref<32x176xi32, #tpu.memory_space<hbm>> -> memref<1x176xi32, #tpu.memory_space<hbm>>
      %dma_start3A_29 = tpu.memref_squeeze %dma_start3A_28 : memref<1x176xi32, #tpu.memory_space<hbm>> -> memref<176xi32, #tpu.memory_space<hbm>>
      tpu.enqueue_dma source(%dma_start3A_29 : memref<176xi32, #tpu.memory_space<hbm>>) target(%arg13 : memref<176xi32, #tpu.memory_space<vmem>>) target_semaphore(%run_scoped3A : memref<!tpu.dma_semaphore, #tpu.memory_space<semaphore_mem>>)
      %dma_wait3A = arith.constant 0 : i32
      %dma_wait3A_30 = tpu.memref_slice %arg5[%add3A, %dma_wait3A] : memref<32x176xi32, #tpu.memory_space<hbm>> -> memref<1x176xi32, #tpu.memory_space<hbm>>
      %dma_wait3A_31 = tpu.memref_squeeze %dma_wait3A_30 : memref<1x176xi32, #tpu.memory_space<hbm>> -> memref<176xi32, #tpu.memory_space<hbm>>
      %dma_wait3A_32 = arith.constant 0 : i32
      %dma_wait3A_33 = tpu.memref_slice %arg5[%add3A, %dma_wait3A_32] : memref<32x176xi32, #tpu.memory_space<hbm>> -> memref<1x176xi32, #tpu.memory_space<hbm>>
      %dma_wait3A_34 = tpu.memref_squeeze %dma_wait3A_33 : memref<1x176xi32, #tpu.memory_space<hbm>> -> memref<176xi32, #tpu.memory_space<hbm>>
      tpu.wait_dma2 semaphore(%run_scoped3A : memref<!tpu.dma_semaphore, #tpu.memory_space<semaphore_mem>>) src(%dma_wait3A_34 : memref<176xi32, #tpu.memory_space<hbm>>) dst(%arg13 : memref<176xi32, #tpu.memory_space<vmem>>)
      tpu.yield
    }) : () -> ()
    %get3A = arith.constant 0 : index
    %get3A_1 = tpu.vector_load %arg11[%get3A] {strides = array<i32>} : memref<16xi32, #tpu.memory_space<vmem>>, vector<16xi32>,
    %get3A_2 = arith.constant 0 : index
    %get3A_3 = tpu.vector_load %arg12[%get3A_2] {strides = array<i32>} : memref<16xi32, #tpu.memory_space<vmem>>, vector<16xi32>,
    %scan3A = arith.constant 0 : i32
    %scan3A_4 = arith.constant 0 : i32
    %scan3A_5 = arith.constant 288 : i32
    %scan3A_6 = arith.addi %scan3A_4, %scan3A_5 : i32
    %scan3A_7 = arith.constant 1 : i32
    scf.for %scan3A_25 = %scan3A_4 to %scan3A_6 step %scan3A_7  : i32 {
      %broadcast_in_dim3A_26 = arith.constant 0xFF800000 : f32
      %broadcast_in_dim3A_27 = vector.broadcast %broadcast_in_dim3A_26 : f32 to vector<16xf32>
      %mul3A_28 = arith.constant 16 : i32
      %mul3A_29 = arith.muli %scan3A_25, %mul3A_28 : i32
      %swap3A_30 = arith.index_cast %mul3A_29 : i32 to index
      %swap3A_31 = tpu.vector_load %arg9[%swap3A_30] {strides = array<i32>} : memref<4608xf32, #tpu.memory_space<vmem>>, vector<16xf32>,
      tpu.vector_store %arg9[%swap3A_30], %broadcast_in_dim3A_27 {strides = array<i32>} : memref<4608xf32, #tpu.memory_space<vmem>>, vector<16xf32>,
      %broadcast_in_dim3A_32 = arith.constant 0x7F800000 : f32
      %broadcast_in_dim3A_33 = vector.broadcast %broadcast_in_dim3A_32 : f32 to vector<16xf32>
      %mul3A_34 = arith.constant 16 : i32
      %mul3A_35 = arith.muli %scan3A_25, %mul3A_34 : i32
      %swap3A_36 = arith.index_cast %mul3A_35 : i32 to index
      %swap3A_37 = tpu.vector_load %arg10[%swap3A_36] {strides = array<i32>} : memref<4608xf32, #tpu.memory_space<vmem>>, vector<16xf32>,
      tpu.vector_store %arg10[%swap3A_36], %broadcast_in_dim3A_33 {strides = array<i32>} : memref<4608xf32, #tpu.memory_space<vmem>>, vector<16xf32>,
    }
    %scan3A_8 = arith.constant 288 : i32
    %swap3A = arith.constant 0 : i32
    %swap3A_9 = arith.constant 0 : i32
    %swap3A_10 = arith.index_cast %swap3A_9 : i32 to index
    %swap3A_11 = memref.load %arg14[%swap3A_10] : memref<2xi32, #tpu.memory_space<smem>>
    memref.store %swap3A, %arg14[%swap3A_10] : memref<2xi32, #tpu.memory_space<smem>>
    %swap3A_12 = arith.constant 0 : i32
    %swap3A_13 = arith.constant 1 : i32
    %swap3A_14 = arith.index_cast %swap3A_13 : i32 to index
    %swap3A_15 = memref.load %arg14[%swap3A_14] : memref<2xi32, #tpu.memory_space<smem>>
    memref.store %swap3A_12, %arg14[%swap3A_14] : memref<2xi32, #tpu.memory_space<smem>>
    %broadcast_in_dim3A = arith.constant 1 : i32
    %broadcast_in_dim3A_16 = vector.broadcast %broadcast_in_dim3A : i32 to vector<16xi32>
    %broadcast_in_dim3A_17 = arith.constant 0 : i32
    %broadcast_in_dim3A_18 = vector.broadcast %broadcast_in_dim3A_17 : i32 to vector<16xi32>
    %scan3A_19 = arith.constant 0 : i32
    %scan3A_20 = arith.constant 0 : i32
    %scan3A_21 = arith.constant 157 : i32
    %scan3A_22 = arith.addi %scan3A_20, %scan3A_21 : i32
    %scan3A_23 = arith.constant 1 : i32
    scf.for %scan3A_25 = %scan3A_20 to %scan3A_22 step %scan3A_23  : i32 {
      %mul3A_26 = arith.constant 32 : i32
      %mul3A_27 = arith.muli %scan3A_25, %mul3A_26 : i32
      %add3A_28 = arith.addi %add3A, %mul3A_27 : i32
      %get3A_29 = arith.index_cast %scan3A_25 : i32 to index
      %get3A_30 = tpu.vector_load %arg13[%get3A_29] {strides = array<i32>} : memref<176xi32, #tpu.memory_space<vmem>>, vector<16xi32>,
      %slice3A = vector.extract_strided_slice %get3A_30 {offsets = [0], sizes = [1], strides = [1]} : vector<16xi32> to vector<1xi32>
      %squeeze3A = vector.extract %slice3A[0] : i32 from vector<1xi32>
      %lt3A = arith.constant 5000 : i32
      %lt3A_31 = arith.cmpi slt, %add3A_28, %lt3A : i32
      %gt3A = arith.constant 0 : i32
      %gt3A_32 = arith.cmpi sgt, %squeeze3A, %gt3A : i32
      %and3A = arith.andi %lt3A_31, %gt3A_32 : i1
      %convert_element_type3A = arith.extui %and3A : i1 to i32
      %cond3A = arith.constant 0 : i32
      %cond3A_33 = arith.cmpi ne, %convert_element_type3A, %cond3A : i32
      scf.if %cond3A_33 {
        %mul3A_34 = arith.constant 20000 : i32
        %mul3A_35 = arith.muli %add3A_28, %mul3A_34 : i32
        "tpu.region"() ({
          %run_scoped3A = tpu.sem_alloc : memref<!tpu.dma_semaphore, #tpu.memory_space<semaphore_mem>>
          %dma_start3A = tpu.memref_slice %arg2[%mul3A_35] : memref<100000000xf32, #tpu.memory_space<hbm>> -> memref<20000xf32, #tpu.memory_space<hbm>>
          %dma_start3A_42 = tpu.memref_slice %arg2[%mul3A_35] : memref<100000000xf32, #tpu.memory_space<hbm>> -> memref<20000xf32, #tpu.memory_space<hbm>>
          tpu.enqueue_dma source(%dma_start3A_42 : memref<20000xf32, #tpu.memory_space<hbm>>) target(%arg8 : memref<20000xf32, #tpu.memory_space<vmem>>) target_semaphore(%run_scoped3A : memref<!tpu.dma_semaphore, #tpu.memory_space<semaphore_mem>>)
          %dma_wait3A = tpu.memref_slice %arg2[%mul3A_35] : memref<100000000xf32, #tpu.memory_space<hbm>> -> memref<20000xf32, #tpu.memory_space<hbm>>
          %dma_wait3A_43 = tpu.memref_slice %arg2[%mul3A_35] : memref<100000000xf32, #tpu.memory_space<hbm>> -> memref<20000xf32, #tpu.memory_space<hbm>>
          tpu.wait_dma2 semaphore(%run_scoped3A : memref<!tpu.dma_semaphore, #tpu.memory_space<semaphore_mem>>) src(%dma_wait3A_43 : memref<20000xf32, #tpu.memory_space<hbm>>) dst(%arg8 : memref<20000xf32, #tpu.memory_space<vmem>>)
          tpu.yield
        }) : () -> ()
        %scan3A_36 = arith.constant 0 : i32
        %scan3A_37 = arith.constant 0 : i32
        %scan3A_38 = arith.constant 10 : i32
        %scan3A_39 = arith.addi %scan3A_37, %scan3A_38 : i32
        %scan3A_40 = arith.constant 1 : i32
        scf.for %scan3A_42 = %scan3A_37 to %scan3A_39 step %scan3A_40  : i32 {
          %mul3A_43 = arith.constant 2000 : i32
          %mul3A_44 = arith.muli %scan3A_42, %mul3A_43 : i32
          %scan3A_45 = arith.constant 0 : i32
          %scan3A_46 = arith.constant 25 : i32
          %scan3A_47 = arith.addi %scan3A_45, %scan3A_46 : i32
          %scan3A_48 = arith.constant 1 : i32
          %scan3A_49:2 = scf.for %scan3A_68 = %scan3A_45 to %scan3A_47 step %scan3A_48 iter_args(%scan3A_69 = %broadcast_in_dim3A_18, %scan3A_70 = %broadcast_in_dim3A_18) -> (vector<16xi32>, vector<16xi32>)  : i32 {
            %mul3A_71 = arith.constant 5 : i32
            %mul3A_72 = arith.muli %scan3A_68, %mul3A_71 : i32
            %add3A_73 = arith.constant 0 : i32
            %add3A_74 = arith.addi %mul3A_72, %add3A_73 : i32
            %mul3A_75 = arith.constant 16 : i32
            %mul3A_76 = arith.muli %add3A_74, %mul3A_75 : i32
            %add3A_77 = arith.addi %mul3A_44, %mul3A_76 : i32
            %get3A_78 = arith.index_cast %add3A_77 : i32 to index
            %get3A_79 = tpu.vector_load %arg8[%get3A_78] {strides = array<i32>} : memref<20000xf32, #tpu.memory_space<vmem>>, vector<16xf32>,
            %bitcast_convert_type3A = tpu.bitcast %get3A_79 : vector<16xf32> -> vector<16xi32>
            %shift_right_arithmetic3A = arith.constant 31 : i32
            %shift_right_arithmetic3A_80 = vector.broadcast %shift_right_arithmetic3A : i32 to vector<16xi32>
            %shift_right_arithmetic3A_81 = arith.shrsi %bitcast_convert_type3A, %shift_right_arithmetic3A_80 : vector<16xi32>
            %and3A_82 = arith.constant 2147483647 : i32
            %and3A_83 = vector.broadcast %and3A_82 : i32 to vector<16xi32>
            %and3A_84 = arith.andi %and3A_83, %shift_right_arithmetic3A_81 : vector<16xi32>
            %xor3A = arith.xori %bitcast_convert_type3A, %and3A_84 : vector<16xi32>
            %shift_right_logical3A = arith.constant 16 : i32
            %shift_right_logical3A_85 = vector.broadcast %shift_right_logical3A : i32 to vector<16xi32>
            %shift_right_logical3A_86 = arith.shrui %xor3A, %shift_right_logical3A_85 : vector<16xi32>
            %xor3A_87 = arith.constant 32768 : i32
            %xor3A_88 = vector.broadcast %xor3A_87 : i32 to vector<16xi32>
            %xor3A_89 = arith.xori %shift_right_logical3A_86, %xor3A_88 : vector<16xi32>
            %ge3A = arith.cmpi sge, %xor3A_89, %get3A_1 : vector<16xi32>
            %select_n3A = arith.select %ge3A, %broadcast_in_dim3A_16, %broadcast_in_dim3A_18 : vector<16xi1>, vector<16xi32>
            %add3A_90 = arith.addi %scan3A_69, %select_n3A : vector<16xi32>
            %le3A = arith.cmpi sle, %xor3A_89, %get3A_3 : vector<16xi32>
            %select_n3A_91 = arith.select %le3A, %broadcast_in_dim3A_16, %broadcast_in_dim3A_18 : vector<16xi1>, vector<16xi32>
            %add3A_92 = arith.addi %scan3A_70, %select_n3A_91 : vector<16xi32>
            %mul3A_93 = arith.constant 5 : i32
            %mul3A_94 = arith.muli %scan3A_68, %mul3A_93 : i32
            %add3A_95 = arith.constant 1 : i32
            %add3A_96 = arith.addi %mul3A_94, %add3A_95 : i32
            %mul3A_97 = arith.constant 16 : i32
            %mul3A_98 = arith.muli %add3A_96, %mul3A_97 : i32
            %add3A_99 = arith.addi %mul3A_44, %mul3A_98 : i32
            %get3A_100 = arith.index_cast %add3A_99 : i32 to index
            %get3A_101 = tpu.vector_load %arg8[%get3A_100] {strides = array<i32>} : memref<20000xf32, #tpu.memory_space<vmem>>, vector<16xf32>,
            %bitcast_convert_type3A_102 = tpu.bitcast %get3A_101 : vector<16xf32> -> vector<16xi32>
            %shift_right_arithmetic3A_103 = arith.constant 31 : i32
            %shift_right_arithmetic3A_104 = vector.broadcast %shift_right_arithmetic3A_103 : i32 to vector<16xi32>
            %shift_right_arithmetic3A_105 = arith.shrsi %bitcast_convert_type3A_102, %shift_right_arithmetic3A_104 : vector<16xi32>
            %and3A_106 = arith.constant 2147483647 : i32
            %and3A_107 = vector.broadcast %and3A_106 : i32 to vector<16xi32>
            %and3A_108 = arith.andi %and3A_107, %shift_right_arithmetic3A_105 : vector<16xi32>
            %xor3A_109 = arith.xori %bitcast_convert_type3A_102, %and3A_108 : vector<16xi32>
            %shift_right_logical3A_110 = arith.constant 16 : i32
            %shift_right_logical3A_111 = vector.broadcast %shift_right_logical3A_110 : i32 to vector<16xi32>
            %shift_right_logical3A_112 = arith.shrui %xor3A_109, %shift_right_logical3A_111 : vector<16xi32>
            %xor3A_113 = arith.constant 32768 : i32
            %xor3A_114 = vector.broadcast %xor3A_113 : i32 to vector<16xi32>
            %xor3A_115 = arith.xori %shift_right_logical3A_112, %xor3A_114 : vector<16xi32>
            %ge3A_116 = arith.cmpi sge, %xor3A_115, %get3A_1 : vector<16xi32>
            %select_n3A_117 = arith.select %ge3A_116, %broadcast_in_dim3A_16, %broadcast_in_dim3A_18 : vector<16xi1>, vector<16xi32>
            %add3A_118 = arith.addi %add3A_90, %select_n3A_117 : vector<16xi32>
            %le3A_119 = arith.cmpi sle, %xor3A_115, %get3A_3 : vector<16xi32>
            %select_n3A_120 = arith.select %le3A_119, %broadcast_in_dim3A_16, %broadcast_in_dim3A_18 : vector<16xi1>, vector<16xi32>
            %add3A_121 = arith.addi %add3A_92, %select_n3A_120 : vector<16xi32>
            %mul3A_122 = arith.constant 5 : i32
            %mul3A_123 = arith.muli %scan3A_68, %mul3A_122 : i32
            %add3A_124 = arith.constant 2 : i32
            %add3A_125 = arith.addi %mul3A_123, %add3A_124 : i32
            %mul3A_126 = arith.constant 16 : i32
            %mul3A_127 = arith.muli %add3A_125, %mul3A_126 : i32
            %add3A_128 = arith.addi %mul3A_44, %mul3A_127 : i32
            %get3A_129 = arith.index_cast %add3A_128 : i32 to index
            %get3A_130 = tpu.vector_load %arg8[%get3A_129] {strides = array<i32>} : memref<20000xf32, #tpu.memory_space<vmem>>, vector<16xf32>,
            %bitcast_convert_type3A_131 = tpu.bitcast %get3A_130 : vector<16xf32> -> vector<16xi32>
            %shift_right_arithmetic3A_132 = arith.constant 31 : i32
            %shift_right_arithmetic3A_133 = vector.broadcast %shift_right_arithmetic3A_132 : i32 to vector<16xi32>
            %shift_right_arithmetic3A_134 = arith.shrsi %bitcast_convert_type3A_131, %shift_right_arithmetic3A_133 : vector<16xi32>
            %and3A_135 = arith.constant 2147483647 : i32
            %and3A_136 = vector.broadcast %and3A_135 : i32 to vector<16xi32>
            %and3A_137 = arith.andi %and3A_136, %shift_right_arithmetic3A_134 : vector<16xi32>
            %xor3A_138 = arith.xori %bitcast_convert_type3A_131, %and3A_137 : vector<16xi32>
            %shift_right_logical3A_139 = arith.constant 16 : i32
            %shift_right_logical3A_140 = vector.broadcast %shift_right_logical3A_139 : i32 to vector<16xi32>
            %shift_right_logical3A_141 = arith.shrui %xor3A_138, %shift_right_logical3A_140 : vector<16xi32>
            %xor3A_142 = arith.constant 32768 : i32
            %xor3A_143 = vector.broadcast %xor3A_142 : i32 to vector<16xi32>
            %xor3A_144 = arith.xori %shift_right_logical3A_141, %xor3A_143 : vector<16xi32>
            %ge3A_145 = arith.cmpi sge, %xor3A_144, %get3A_1 : vector<16xi32>
            %select_n3A_146 = arith.select %ge3A_145, %broadcast_in_dim3A_16, %broadcast_in_dim3A_18 : vector<16xi1>, vector<16xi32>
            %add3A_147 = arith.addi %add3A_118, %select_n3A_146 : vector<16xi32>
            %le3A_148 = arith.cmpi sle, %xor3A_144, %get3A_3 : vector<16xi32>
            %select_n3A_149 = arith.select %le3A_148, %broadcast_in_dim3A_16, %broadcast_in_dim3A_18 : vector<16xi1>, vector<16xi32>
            %add3A_150 = arith.addi %add3A_121, %select_n3A_149 : vector<16xi32>
            %mul3A_151 = arith.constant 5 : i32
            %mul3A_152 = arith.muli %scan3A_68, %mul3A_151 : i32
            %add3A_153 = arith.constant 3 : i32
            %add3A_154 = arith.addi %mul3A_152, %add3A_153 : i32
            %mul3A_155 = arith.constant 16 : i32
            %mul3A_156 = arith.muli %add3A_154, %mul3A_155 : i32
            %add3A_157 = arith.addi %mul3A_44, %mul3A_156 : i32
            %get3A_158 = arith.index_cast %add3A_157 : i32 to index
            %get3A_159 = tpu.vector_load %arg8[%get3A_158] {strides = array<i32>} : memref<20000xf32, #tpu.memory_space<vmem>>, vector<16xf32>,
            %bitcast_convert_type3A_160 = tpu.bitcast %get3A_159 : vector<16xf32> -> vector<16xi32>
            %shift_right_arithmetic3A_161 = arith.constant 31 : i32
            %shift_right_arithmetic3A_162 = vector.broadcast %shift_right_arithmetic3A_161 : i32 to vector<16xi32>
            %shift_right_arithmetic3A_163 = arith.shrsi %bitcast_convert_type3A_160, %shift_right_arithmetic3A_162 : vector<16xi32>
            %and3A_164 = arith.constant 2147483647 : i32
            %and3A_165 = vector.broadcast %and3A_164 : i32 to vector<16xi32>
            %and3A_166 = arith.andi %and3A_165, %shift_right_arithmetic3A_163 : vector<16xi32>
            %xor3A_167 = arith.xori %bitcast_convert_type3A_160, %and3A_166 : vector<16xi32>
            %shift_right_logical3A_168 = arith.constant 16 : i32
            %shift_right_logical3A_169 = vector.broadcast %shift_right_logical3A_168 : i32 to vector<16xi32>
            %shift_right_logical3A_170 = arith.shrui %xor3A_167, %shift_right_logical3A_169 : vector<16xi32>
            %xor3A_171 = arith.constant 32768 : i32
            %xor3A_172 = vector.broadcast %xor3A_171 : i32 to vector<16xi32>
            %xor3A_173 = arith.xori %shift_right_logical3A_170, %xor3A_172 : vector<16xi32>
            %ge3A_174 = arith.cmpi sge, %xor3A_173, %get3A_1 : vector<16xi32>
            %select_n3A_175 = arith.select %ge3A_174, %broadcast_in_dim3A_16, %broadcast_in_dim3A_18 : vector<16xi1>, vector<16xi32>
            %add3A_176 = arith.addi %add3A_147, %select_n3A_175 : vector<16xi32>
            %le3A_177 = arith.cmpi sle, %xor3A_173, %get3A_3 : vector<16xi32>
            %select_n3A_178 = arith.select %le3A_177, %broadcast_in_dim3A_16, %broadcast_in_dim3A_18 : vector<16xi1>, vector<16xi32>
            %add3A_179 = arith.addi %add3A_150, %select_n3A_178 : vector<16xi32>
            %mul3A_180 = arith.constant 5 : i32
            %mul3A_181 = arith.muli %scan3A_68, %mul3A_180 : i32
            %add3A_182 = arith.constant 4 : i32
            %add3A_183 = arith.addi %mul3A_181, %add3A_182 : i32
            %mul3A_184 = arith.constant 16 : i32
            %mul3A_185 = arith.muli %add3A_183, %mul3A_184 : i32
            %add3A_186 = arith.addi %mul3A_44, %mul3A_185 : i32
            %get3A_187 = arith.index_cast %add3A_186 : i32 to index
            %get3A_188 = tpu.vector_load %arg8[%get3A_187] {strides = array<i32>} : memref<20000xf32, #tpu.memory_space<vmem>>, vector<16xf32>,
            %bitcast_convert_type3A_189 = tpu.bitcast %get3A_188 : vector<16xf32> -> vector<16xi32>
            %shift_right_arithmetic3A_190 = arith.constant 31 : i32
            %shift_right_arithmetic3A_191 = vector.broadcast %shift_right_arithmetic3A_190 : i32 to vector<16xi32>
            %shift_right_arithmetic3A_192 = arith.shrsi %bitcast_convert_type3A_189, %shift_right_arithmetic3A_191 : vector<16xi32>
            %and3A_193 = arith.constant 2147483647 : i32
            %and3A_194 = vector.broadcast %and3A_193 : i32 to vector<16xi32>
            %and3A_195 = arith.andi %and3A_194, %shift_right_arithmetic3A_192 : vector<16xi32>
            %xor3A_196 = arith.xori %bitcast_convert_type3A_189, %and3A_195 : vector<16xi32>
            %shift_right_logical3A_197 = arith.constant 16 : i32
            %shift_right_logical3A_198 = vector.broadcast %shift_right_logical3A_197 : i32 to vector<16xi32>
            %shift_right_logical3A_199 = arith.shrui %xor3A_196, %shift_right_logical3A_198 : vector<16xi32>
            %xor3A_200 = arith.constant 32768 : i32
            %xor3A_201 = vector.broadcast %xor3A_200 : i32 to vector<16xi32>
            %xor3A_202 = arith.xori %shift_right_logical3A_199, %xor3A_201 : vector<16xi32>
            %ge3A_203 = arith.cmpi sge, %xor3A_202, %get3A_1 : vector<16xi32>
            %select_n3A_204 = arith.select %ge3A_203, %broadcast_in_dim3A_16, %broadcast_in_dim3A_18 : vector<16xi1>, vector<16xi32>
            %add3A_205 = arith.addi %add3A_176, %select_n3A_204 : vector<16xi32>
            %le3A_206 = arith.cmpi sle, %xor3A_202, %get3A_3 : vector<16xi32>
            %select_n3A_207 = arith.select %le3A_206, %broadcast_in_dim3A_16, %broadcast_in_dim3A_18 : vector<16xi1>, vector<16xi32>
            %add3A_208 = arith.addi %add3A_179, %select_n3A_207 : vector<16xi32>
            scf.yield %add3A_205, %add3A_208 : vector<16xi32>, vector<16xi32>
          }
          %scan3A_50 = arith.constant 25 : i32
          %reduce_sum3A = arith.constant true
          %reduce_sum3A_51 = vector.broadcast %reduce_sum3A : i1 to vector<16xi1>
          %reduce_sum3A_52 = tpu.scan <sum>, %scan3A_49#0 masked %reduce_sum3A_51 : vector<16xi32>, vector<16xi1> -> vector<16xi32>
          %reduce_sum3A_53 = vector.extract %reduce_sum3A_52[15] : i32 from vector<16xi32>
          %reduce_sum3A_54 = arith.constant true
          %reduce_sum3A_55 = vector.broadcast %reduce_sum3A_54 : i1 to vector<16xi1>
          %reduce_sum3A_56 = tpu.scan <sum>, %scan3A_49#1 masked %reduce_sum3A_55 : vector<16xi32>, vector<16xi1> -> vector<16xi32>
          %reduce_sum3A_57 = vector.extract %reduce_sum3A_56[15] : i32 from vector<16xi32>
          %gt3A_58 = arith.constant 0 : i32
          %gt3A_59 = arith.cmpi sgt, %reduce_sum3A_53, %gt3A_58 : i32
          %convert_element_type3A_60 = arith.extui %gt3A_59 : i1 to i32
          %cond3A_61 = arith.constant 0 : i32
          %cond3A_62 = arith.cmpi ne, %convert_element_type3A_60, %cond3A_61 : i32
          scf.if %cond3A_62 {
            %scan3A_68 = arith.constant 0 : i32
            %scan3A_69 = arith.constant 0 : i32
            %scan3A_70 = arith.constant 125 : i32
            %scan3A_71 = arith.addi %scan3A_69, %scan3A_70 : i32
            %scan3A_72 = arith.constant 1 : i32
            scf.for %scan3A_74 = %scan3A_69 to %scan3A_71 step %scan3A_72  : i32 {
              %mul3A_75 = arith.constant 16 : i32
              %mul3A_76 = arith.muli %scan3A_74, %mul3A_75 : i32
              %add3A_77 = arith.addi %mul3A_44, %mul3A_76 : i32
              %get3A_78 = arith.index_cast %add3A_77 : i32 to index
              %get3A_79 = tpu.vector_load %arg8[%get3A_78] {strides = array<i32>} : memref<20000xf32, #tpu.memory_space<vmem>>, vector<16xf32>,
              %bitcast_convert_type3A = tpu.bitcast %get3A_79 : vector<16xf32> -> vector<16xi32>
              %shift_right_arithmetic3A = arith.constant 31 : i32
              %shift_right_arithmetic3A_80 = vector.broadcast %shift_right_arithmetic3A : i32 to vector<16xi32>
              %shift_right_arithmetic3A_81 = arith.shrsi %bitcast_convert_type3A, %shift_right_arithmetic3A_80 : vector<16xi32>
              %and3A_82 = arith.constant 2147483647 : i32
              %and3A_83 = vector.broadcast %and3A_82 : i32 to vector<16xi32>
              %and3A_84 = arith.andi %and3A_83, %shift_right_arithmetic3A_81 : vector<16xi32>
              %xor3A = arith.xori %bitcast_convert_type3A, %and3A_84 : vector<16xi32>
              %shift_right_logical3A = arith.constant 16 : i32
              %shift_right_logical3A_85 = vector.broadcast %shift_right_logical3A : i32 to vector<16xi32>
              %shift_right_logical3A_86 = arith.shrui %xor3A, %shift_right_logical3A_85 : vector<16xi32>
              %xor3A_87 = arith.constant 32768 : i32
              %xor3A_88 = vector.broadcast %xor3A_87 : i32 to vector<16xi32>
              %xor3A_89 = arith.xori %shift_right_logical3A_86, %xor3A_88 : vector<16xi32>
              %ge3A = arith.cmpi sge, %xor3A_89, %get3A_1 : vector<16xi32>
              %get3A_90 = arith.constant 0 : i32
              %get3A_91 = arith.index_cast %get3A_90 : i32 to index
              %get3A_92 = memref.load %arg14[%get3A_91] : memref<2xi32, #tpu.memory_space<smem>>
              %min3A = arith.constant 4592 : i32
              %min3A_93 = arith.minsi %get3A_92, %min3A : i32
              %swap3A_94 = arith.index_cast %min3A_93 : i32 to index
              %swap3A_95 = tpu.vector_load %arg9[%swap3A_94] masked %ge3A {strides = array<i32>} : memref<4608xf32, #tpu.memory_space<vmem>>, vector<16xf32>, vector<16xi1>
              tpu.vector_store %arg9[%swap3A_94], %get3A_79 masked %ge3A {strides = array<i32>} : memref<4608xf32, #tpu.memory_space<vmem>>, vector<16xf32>, vector<16xi1>
              %all_reduce_population_count3A = tpu.all_reduce %ge3A {dim = 0 : i64, kind = #tpu.reduction_kind<sum>} : vector<16xi1> -> vector<16xi32>
              %reduce_max3A = arith.constant true
              %reduce_max3A_96 = vector.broadcast %reduce_max3A : i1 to vector<16xi1>
              %reduce_max3A_97 = arith.constant -2147483648 : i32
              %reduce_max3A_98 = vector.broadcast %reduce_max3A_97 : i32 to vector<16xi32>
              %reduce_max3A_99 = arith.xori %all_reduce_population_count3A, %reduce_max3A_98 : vector<16xi32>
              %reduce_max3A_100 = tpu.scan <max>, %reduce_max3A_99 masked %reduce_max3A_96 : vector<16xi32>, vector<16xi1> -> vector<16xi32>
              %reduce_max3A_101 = arith.xori %reduce_max3A_100, %reduce_max3A_98 : vector<16xi32>
              %reduce_max3A_102 = vector.extract %reduce_max3A_101[15] : i32 from vector<16xi32>
              %add3A_103 = arith.addi %get3A_92, %reduce_max3A_102 : i32
              %swap3A_104 = arith.constant 0 : i32
              %swap3A_105 = arith.index_cast %swap3A_104 : i32 to index
              %swap3A_106 = memref.load %arg14[%swap3A_105] : memref<2xi32, #tpu.memory_space<smem>>
              memref.store %add3A_103, %arg14[%swap3A_105] : memref<2xi32, #tpu.memory_space<smem>>
            }
            %scan3A_73 = arith.constant 125 : i32
          } else {
          }
          %gt3A_63 = arith.constant 0 : i32
          %gt3A_64 = arith.cmpi sgt, %reduce_sum3A_57, %gt3A_63 : i32
          %convert_element_type3A_65 = arith.extui %gt3A_64 : i1 to i32
          %cond3A_66 = arith.constant 0 : i32
          %cond3A_67 = arith.cmpi ne, %convert_element_type3A_65, %cond3A_66 : i32
          scf.if %cond3A_67 {
            %scan3A_68 = arith.constant 0 : i32
            %scan3A_69 = arith.constant 0 : i32
            %scan3A_70 = arith.constant 125 : i32
            %scan3A_71 = arith.addi %scan3A_69, %scan3A_70 : i32
            %scan3A_72 = arith.constant 1 : i32
            scf.for %scan3A_74 = %scan3A_69 to %scan3A_71 step %scan3A_72  : i32 {
              %mul3A_75 = arith.constant 16 : i32
              %mul3A_76 = arith.muli %scan3A_74, %mul3A_75 : i32
              %add3A_77 = arith.addi %mul3A_44, %mul3A_76 : i32
              %get3A_78 = arith.index_cast %add3A_77 : i32 to index
              %get3A_79 = tpu.vector_load %arg8[%get3A_78] {strides = array<i32>} : memref<20000xf32, #tpu.memory_space<vmem>>, vector<16xf32>,
              %bitcast_convert_type3A = tpu.bitcast %get3A_79 : vector<16xf32> -> vector<16xi32>
              %shift_right_arithmetic3A = arith.constant 31 : i32
              %shift_right_arithmetic3A_80 = vector.broadcast %shift_right_arithmetic3A : i32 to vector<16xi32>
              %shift_right_arithmetic3A_81 = arith.shrsi %bitcast_convert_type3A, %shift_right_arithmetic3A_80 : vector<16xi32>
              %and3A_82 = arith.constant 2147483647 : i32
              %and3A_83 = vector.broadcast %and3A_82 : i32 to vector<16xi32>
              %and3A_84 = arith.andi %and3A_83, %shift_right_arithmetic3A_81 : vector<16xi32>
              %xor3A = arith.xori %bitcast_convert_type3A, %and3A_84 : vector<16xi32>
              %shift_right_logical3A = arith.constant 16 : i32
              %shift_right_logical3A_85 = vector.broadcast %shift_right_logical3A : i32 to vector<16xi32>
              %shift_right_logical3A_86 = arith.shrui %xor3A, %shift_right_logical3A_85 : vector<16xi32>
              %xor3A_87 = arith.constant 32768 : i32
              %xor3A_88 = vector.broadcast %xor3A_87 : i32 to vector<16xi32>
              %xor3A_89 = arith.xori %shift_right_logical3A_86, %xor3A_88 : vector<16xi32>
              %le3A = arith.cmpi sle, %xor3A_89, %get3A_3 : vector<16xi32>
              %get3A_90 = arith.constant 1 : i32
              %get3A_91 = arith.index_cast %get3A_90 : i32 to index
              %get3A_92 = memref.load %arg14[%get3A_91] : memref<2xi32, #tpu.memory_space<smem>>
              %min3A = arith.constant 4592 : i32
              %min3A_93 = arith.minsi %get3A_92, %min3A : i32
              %swap3A_94 = arith.index_cast %min3A_93 : i32 to index
              %swap3A_95 = tpu.vector_load %arg10[%swap3A_94] masked %le3A {strides = array<i32>} : memref<4608xf32, #tpu.memory_space<vmem>>, vector<16xf32>, vector<16xi1>
              tpu.vector_store %arg10[%swap3A_94], %get3A_79 masked %le3A {strides = array<i32>} : memref<4608xf32, #tpu.memory_space<vmem>>, vector<16xf32>, vector<16xi1>
              %all_reduce_population_count3A = tpu.all_reduce %le3A {dim = 0 : i64, kind = #tpu.reduction_kind<sum>} : vector<16xi1> -> vector<16xi32>
              %reduce_max3A = arith.constant true
              %reduce_max3A_96 = vector.broadcast %reduce_max3A : i1 to vector<16xi1>
              %reduce_max3A_97 = arith.constant -2147483648 : i32
              %reduce_max3A_98 = vector.broadcast %reduce_max3A_97 : i32 to vector<16xi32>
              %reduce_max3A_99 = arith.xori %all_reduce_population_count3A, %reduce_max3A_98 : vector<16xi32>
              %reduce_max3A_100 = tpu.scan <max>, %reduce_max3A_99 masked %reduce_max3A_96 : vector<16xi32>, vector<16xi1> -> vector<16xi32>
              %reduce_max3A_101 = arith.xori %reduce_max3A_100, %reduce_max3A_98 : vector<16xi32>
              %reduce_max3A_102 = vector.extract %reduce_max3A_101[15] : i32 from vector<16xi32>
              %add3A_103 = arith.addi %get3A_92, %reduce_max3A_102 : i32
              %swap3A_104 = arith.constant 1 : i32
              %swap3A_105 = arith.index_cast %swap3A_104 : i32 to index
              %swap3A_106 = memref.load %arg14[%swap3A_105] : memref<2xi32, #tpu.memory_space<smem>>
              memref.store %add3A_103, %arg14[%swap3A_105] : memref<2xi32, #tpu.memory_space<smem>>
            }
            %scan3A_73 = arith.constant 125 : i32
          } else {
          }
        }
        %scan3A_41 = arith.constant 10 : i32
      } else {
      }
    }
    %scan3A_24 = arith.constant 157 : i32
    "tpu.region"() ({
      %run_scoped3A = tpu.sem_alloc : memref<!tpu.dma_semaphore, #tpu.memory_space<semaphore_mem>>
      %dma_start3A = arith.constant 0 : i32
      %dma_start3A_25 = tpu.memref_slice %arg6[%add3A, %dma_start3A] : memref<32x4608xf32, #tpu.memory_space<hbm>> -> memref<1x4608xf32, #tpu.memory_space<hbm>>
      %dma_start3A_26 = tpu.memref_squeeze %dma_start3A_25 : memref<1x4608xf32, #tpu.memory_space<hbm>> -> memref<4608xf32, #tpu.memory_space<hbm>>
      %dma_start3A_27 = arith.constant 0 : i32
      %dma_start3A_28 = tpu.memref_slice %arg6[%add3A, %dma_start3A_27] : memref<32x4608xf32, #tpu.memory_space<hbm>> -> memref<1x4608xf32, #tpu.memory_space<hbm>>
      %dma_start3A_29 = tpu.memref_squeeze %dma_start3A_28 : memref<1x4608xf32, #tpu.memory_space<hbm>> -> memref<4608xf32, #tpu.memory_space<hbm>>
      tpu.enqueue_dma source(%arg9 : memref<4608xf32, #tpu.memory_space<vmem>>) target(%dma_start3A_29 : memref<4608xf32, #tpu.memory_space<hbm>>) target_semaphore(%run_scoped3A : memref<!tpu.dma_semaphore, #tpu.memory_space<semaphore_mem>>)
      %dma_wait3A = arith.constant 0 : i32
      %dma_wait3A_30 = tpu.memref_slice %arg6[%add3A, %dma_wait3A] : memref<32x4608xf32, #tpu.memory_space<hbm>> -> memref<1x4608xf32, #tpu.memory_space<hbm>>
      %dma_wait3A_31 = tpu.memref_squeeze %dma_wait3A_30 : memref<1x4608xf32, #tpu.memory_space<hbm>> -> memref<4608xf32, #tpu.memory_space<hbm>>
      %dma_wait3A_32 = arith.constant 0 : i32
      %dma_wait3A_33 = tpu.memref_slice %arg6[%add3A, %dma_wait3A_32] : memref<32x4608xf32, #tpu.memory_space<hbm>> -> memref<1x4608xf32, #tpu.memory_space<hbm>>
      %dma_wait3A_34 = tpu.memref_squeeze %dma_wait3A_33 : memref<1x4608xf32, #tpu.memory_space<hbm>> -> memref<4608xf32, #tpu.memory_space<hbm>>
      tpu.wait_dma2 semaphore(%run_scoped3A : memref<!tpu.dma_semaphore, #tpu.memory_space<semaphore_mem>>) src(%arg9 : memref<4608xf32, #tpu.memory_space<vmem>>) dst(%dma_wait3A_34 : memref<4608xf32, #tpu.memory_space<hbm>>)
      tpu.yield
    }) : () -> ()
    "tpu.region"() ({
      %run_scoped3A = tpu.sem_alloc : memref<!tpu.dma_semaphore, #tpu.memory_space<semaphore_mem>>
      %dma_start3A = arith.constant 0 : i32
      %dma_start3A_25 = tpu.memref_slice %arg7[%add3A, %dma_start3A] : memref<32x4608xf32, #tpu.memory_space<hbm>> -> memref<1x4608xf32, #tpu.memory_space<hbm>>
      %dma_start3A_26 = tpu.memref_squeeze %dma_start3A_25 : memref<1x4608xf32, #tpu.memory_space<hbm>> -> memref<4608xf32, #tpu.memory_space<hbm>>
      %dma_start3A_27 = arith.constant 0 : i32
      %dma_start3A_28 = tpu.memref_slice %arg7[%add3A, %dma_start3A_27] : memref<32x4608xf32, #tpu.memory_space<hbm>> -> memref<1x4608xf32, #tpu.memory_space<hbm>>
      %dma_start3A_29 = tpu.memref_squeeze %dma_start3A_28 : memref<1x4608xf32, #tpu.memory_space<hbm>> -> memref<4608xf32, #tpu.memory_space<hbm>>
      tpu.enqueue_dma source(%arg10 : memref<4608xf32, #tpu.memory_space<vmem>>) target(%dma_start3A_29 : memref<4608xf32, #tpu.memory_space<hbm>>) target_semaphore(%run_scoped3A : memref<!tpu.dma_semaphore, #tpu.memory_space<semaphore_mem>>)
      %dma_wait3A = arith.constant 0 : i32
      %dma_wait3A_30 = tpu.memref_slice %arg7[%add3A, %dma_wait3A] : memref<32x4608xf32, #tpu.memory_space<hbm>> -> memref<1x4608xf32, #tpu.memory_space<hbm>>
      %dma_wait3A_31 = tpu.memref_squeeze %dma_wait3A_30 : memref<1x4608xf32, #tpu.memory_space<hbm>> -> memref<4608xf32, #tpu.memory_space<hbm>>
      %dma_wait3A_32 = arith.constant 0 : i32
      %dma_wait3A_33 = tpu.memref_slice %arg7[%add3A, %dma_wait3A_32] : memref<32x4608xf32, #tpu.memory_space<hbm>> -> memref<1x4608xf32, #tpu.memory_space<hbm>>
      %dma_wait3A_34 = tpu.memref_squeeze %dma_wait3A_33 : memref<1x4608xf32, #tpu.memory_space<hbm>> -> memref<4608xf32, #tpu.memory_space<hbm>>
      tpu.wait_dma2 semaphore(%run_scoped3A : memref<!tpu.dma_semaphore, #tpu.memory_space<semaphore_mem>>) src(%arg10 : memref<4608xf32, #tpu.memory_space<vmem>>) dst(%dma_wait3A_34 : memref<4608xf32, #tpu.memory_space<hbm>>)
      tpu.yield
    }) : () -> ()
    return
  }
}

module attributes {stable_mosaic.version = 14 : i64} {
  func.func @_boundary_body(%arg0: memref<32x65536xf32, #tpu.memory_space<vmem>>, %arg1: memref<32x176xf32, #tpu.memory_space<vmem>>, %arg2: memref<32x176xf32, #tpu.memory_space<vmem>>, %arg3: memref<1xi32, #tpu.memory_space<smem>>, %arg4: memref<1xi32, #tpu.memory_space<smem>>, %arg5: memref<32x176xi32, #tpu.memory_space<vmem>>) attributes {dimension_semantics = [], scalar_prefetch = 0 : i64, scratch_operands = 0 : i64, tpu.core_type = #tpu.core_type<tc>} {
    %get3A = arith.constant 0 : index
    %get3A_0 = arith.constant 0 : index
    %get3A_1 = vector.load %arg0[%get3A, %get3A_0] : memref<32x65536xf32, #tpu.memory_space<vmem>>, vector<32x65536xf32>
    %convert_element_type3A = arith.fptosi %get3A_1 : vector<32x65536xf32> to vector<32x65536xi32>
    %reduce_sum3A = arith.constant dense<0> : vector<65536xi32>
    %reduce_sum3A_2 = vector.multi_reduction <add>, %convert_element_type3A, %reduce_sum3A [0] : vector<32x65536xi32> to vector<65536xi32>
    %broadcast_in_dim3A = vector.shape_cast %reduce_sum3A_2 : vector<65536xi32> to vector<1x65536xi32>
    %iota3A = tpu.iota {dimensions = array<i32: 1>} : vector<1x65536xi32>
    %scan3A = arith.constant 1024 : i32
    %scan3A_3 = arith.constant 0 : i32
    %scan3A_4 = arith.constant 0 : i32
    %scan3A_5 = arith.constant 16 : i32
    %scan3A_6 = arith.addi %scan3A_4, %scan3A_5 : i32
    %scan3A_7 = arith.constant 1 : i32
    %scan3A_8 = scf.for %scan3A_60 = %scan3A_4 to %scan3A_6 step %scan3A_7 iter_args(%scan3A_61 = %scan3A_3) -> (i32)  : i32 {
      %sub3A = arith.constant 15 : i32
      %sub3A_62 = arith.subi %sub3A, %scan3A_60 : i32
      %shift_left3A_63 = arith.constant 1 : i32
      %shift_left3A_64 = arith.shli %shift_left3A_63, %sub3A_62 : i32
      %or3A_65 = arith.ori %scan3A_61, %shift_left3A_64 : i32
      %ge3A_66 = vector.broadcast %or3A_65 : i32 to vector<1x65536xi32>
      %ge3A_67 = arith.cmpi sge, %iota3A, %ge3A_66 : vector<1x65536xi32>
      %jit3A_68 = arith.constant 0 : i32
      %broadcast_in_dim3A_69 = vector.broadcast %jit3A_68 : i32 to vector<1x65536xi32>
      %select_n3A_70 = arith.select %ge3A_67, %broadcast_in_dim3A, %broadcast_in_dim3A_69 : vector<1x65536xi1>, vector<1x65536xi32>
      %reduce_sum3A_71 = vector.shape_cast %select_n3A_70 : vector<1x65536xi32> to vector<1x1x65536xi32>
      %reduce_sum3A_72 = arith.constant dense<0> : vector<1xi32>
      %reduce_sum3A_73 = vector.multi_reduction <add>, %reduce_sum3A_71, %reduce_sum3A_72 [1, 2] : vector<1x1x65536xi32> to vector<1xi32>
      %reduce_sum3A_74 = vector.shape_cast %reduce_sum3A_73 : vector<1xi32> to vector<1x1x1xi32>
      %reduce_sum3A_75 = vector.extract %reduce_sum3A_74[0, 0, 0] : i32 from vector<1x1x1xi32>
      %ge3A_76 = arith.cmpi sge, %reduce_sum3A_75, %scan3A : i32
      %select_n3A_77 = arith.select %ge3A_76, %or3A_65, %scan3A_61 : i32
      scf.yield %select_n3A_77 : i32
    }
    %scan3A_9 = arith.constant 16 : i32
    %scan3A_10 = arith.constant 1024 : i32
    %scan3A_11 = arith.constant 0 : i32
    %scan3A_12 = arith.constant 0 : i32
    %scan3A_13 = arith.constant 16 : i32
    %scan3A_14 = arith.addi %scan3A_12, %scan3A_13 : i32
    %scan3A_15 = arith.constant 1 : i32
    %scan3A_16 = scf.for %scan3A_60 = %scan3A_12 to %scan3A_14 step %scan3A_15 iter_args(%scan3A_61 = %scan3A_11) -> (i32)  : i32 {
      %sub3A = arith.constant 15 : i32
      %sub3A_62 = arith.subi %sub3A, %scan3A_60 : i32
      %shift_left3A_63 = arith.constant 1 : i32
      %shift_left3A_64 = arith.shli %shift_left3A_63, %sub3A_62 : i32
      %sub3A_65 = arith.constant 1 : i32
      %sub3A_66 = arith.subi %shift_left3A_64, %sub3A_65 : i32
      %or3A_67 = arith.ori %scan3A_61, %sub3A_66 : i32
      %le3A_68 = vector.broadcast %or3A_67 : i32 to vector<1x65536xi32>
      %le3A_69 = arith.cmpi sle, %iota3A, %le3A_68 : vector<1x65536xi32>
      %jit3A_70 = arith.constant 0 : i32
      %broadcast_in_dim3A_71 = vector.broadcast %jit3A_70 : i32 to vector<1x65536xi32>
      %select_n3A_72 = arith.select %le3A_69, %broadcast_in_dim3A, %broadcast_in_dim3A_71 : vector<1x65536xi1>, vector<1x65536xi32>
      %reduce_sum3A_73 = vector.shape_cast %select_n3A_72 : vector<1x65536xi32> to vector<1x1x65536xi32>
      %reduce_sum3A_74 = arith.constant dense<0> : vector<1xi32>
      %reduce_sum3A_75 = vector.multi_reduction <add>, %reduce_sum3A_73, %reduce_sum3A_74 [1, 2] : vector<1x1x65536xi32> to vector<1xi32>
      %reduce_sum3A_76 = vector.shape_cast %reduce_sum3A_75 : vector<1xi32> to vector<1x1x1xi32>
      %reduce_sum3A_77 = vector.extract %reduce_sum3A_76[0, 0, 0] : i32 from vector<1x1x1xi32>
      %ge3A_78 = arith.cmpi sge, %reduce_sum3A_77, %scan3A_10 : i32
      %sub3A_79 = arith.constant 15 : i32
      %sub3A_80 = arith.subi %sub3A_79, %scan3A_60 : i32
      %shift_left3A_81 = arith.constant 1 : i32
      %shift_left3A_82 = arith.shli %shift_left3A_81, %sub3A_80 : i32
      %or3A_83 = arith.ori %scan3A_61, %shift_left3A_82 : i32
      %select_n3A_84 = arith.select %ge3A_78, %scan3A_61, %or3A_83 : i32
      scf.yield %select_n3A_84 : i32
    }
    %scan3A_17 = arith.constant 16 : i32
    %swap3A = arith.constant 0 : index
    %swap3A_18 = memref.load %arg3[%swap3A] : memref<1xi32, #tpu.memory_space<smem>>
    memref.store %scan3A_8, %arg3[%swap3A] : memref<1xi32, #tpu.memory_space<smem>>
    %swap3A_19 = arith.constant 0 : index
    %swap3A_20 = memref.load %arg4[%swap3A_19] : memref<1xi32, #tpu.memory_space<smem>>
    memref.store %scan3A_16, %arg4[%swap3A_19] : memref<1xi32, #tpu.memory_space<smem>>
    %shift_left3A = arith.constant 16 : i32
    %shift_left3A_21 = arith.shli %scan3A_8, %shift_left3A : i32
    %broadcast_in_dim3A_22 = vector.broadcast %shift_left3A_21 : i32 to vector<32x176xi32>
    %xor3A = arith.constant -2147483648 : i32
    %xor3A_23 = vector.broadcast %xor3A : i32 to vector<32x176xi32>
    %xor3A_24 = arith.xori %broadcast_in_dim3A_22, %xor3A_23 : vector<32x176xi32>
    %ge3A = arith.constant 0 : i32
    %ge3A_25 = vector.broadcast %ge3A : i32 to vector<32x176xi32>
    %ge3A_26 = arith.cmpi sge, %xor3A_24, %ge3A_25 : vector<32x176xi32>
    %xor3A_27 = arith.constant 2147483647 : i32
    %xor3A_28 = vector.broadcast %xor3A_27 : i32 to vector<32x176xi32>
    %xor3A_29 = arith.xori %xor3A_24, %xor3A_28 : vector<32x176xi32>
    %select_n3A = arith.select %ge3A_26, %xor3A_24, %xor3A_29 : vector<32x176xi1>, vector<32x176xi32>
    %bitcast_convert_type3A = tpu.bitcast %select_n3A : vector<32x176xi32> -> vector<32x176xf32>
    %shift_left3A_30 = arith.constant 16 : i32
    %shift_left3A_31 = arith.shli %scan3A_16, %shift_left3A_30 : i32
    %or3A = arith.constant 65535 : i32
    %or3A_32 = arith.ori %shift_left3A_31, %or3A : i32
    %broadcast_in_dim3A_33 = vector.broadcast %or3A_32 : i32 to vector<32x176xi32>
    %xor3A_34 = arith.constant -2147483648 : i32
    %xor3A_35 = vector.broadcast %xor3A_34 : i32 to vector<32x176xi32>
    %xor3A_36 = arith.xori %broadcast_in_dim3A_33, %xor3A_35 : vector<32x176xi32>
    %ge3A_37 = arith.constant 0 : i32
    %ge3A_38 = vector.broadcast %ge3A_37 : i32 to vector<32x176xi32>
    %ge3A_39 = arith.cmpi sge, %xor3A_36, %ge3A_38 : vector<32x176xi32>
    %xor3A_40 = arith.constant 2147483647 : i32
    %xor3A_41 = vector.broadcast %xor3A_40 : i32 to vector<32x176xi32>
    %xor3A_42 = arith.xori %xor3A_36, %xor3A_41 : vector<32x176xi32>
    %select_n3A_43 = arith.select %ge3A_39, %xor3A_36, %xor3A_42 : vector<32x176xi1>, vector<32x176xi32>
    %bitcast_convert_type3A_44 = tpu.bitcast %select_n3A_43 : vector<32x176xi32> -> vector<32x176xf32>
    %get3A_45 = arith.constant 0 : index
    %get3A_46 = arith.constant 0 : index
    %get3A_47 = vector.load %arg1[%get3A_45, %get3A_46] : memref<32x176xf32, #tpu.memory_space<vmem>>, vector<32x176xf32>
    %ge3A_48 = arith.cmpf oge, %get3A_47, %bitcast_convert_type3A : vector<32x176xf32>
    %get3A_49 = arith.constant 0 : index
    %get3A_50 = arith.constant 0 : index
    %get3A_51 = vector.load %arg2[%get3A_49, %get3A_50] : memref<32x176xf32, #tpu.memory_space<vmem>>, vector<32x176xf32>
    %le3A = arith.cmpf ole, %get3A_51, %bitcast_convert_type3A_44 : vector<32x176xf32>
    %or3A_52 = arith.ori %ge3A_48, %le3A : vector<32x176xi1>
    %jit3A = arith.constant 1 : i32
    %jit3A_53 = arith.constant 0 : i32
    %broadcast_in_dim3A_54 = vector.broadcast %jit3A : i32 to vector<32x176xi32>
    %broadcast_in_dim3A_55 = vector.broadcast %jit3A_53 : i32 to vector<32x176xi32>
    %select_n3A_56 = arith.select %or3A_52, %broadcast_in_dim3A_54, %broadcast_in_dim3A_55 : vector<32x176xi1>, vector<32x176xi32>
    %swap3A_57 = arith.constant 0 : index
    %swap3A_58 = arith.constant 0 : index
    %swap3A_59 = vector.load %arg5[%swap3A_57, %swap3A_58] : memref<32x176xi32, #tpu.memory_space<vmem>>, vector<32x176xi32>
    tpu.vector_store %arg5[%swap3A_57, %swap3A_58], %select_n3A_56 {strides = array<i32>} : memref<32x176xi32, #tpu.memory_space<vmem>>, vector<32x176xi32>,
    return
  }
}

module attributes {stable_mosaic.version = 14 : i64} {
  func.func @_matmul_body(%arg0: i32, %arg1: memref<400x128xf32, #tpu.memory_space<vmem>>, %arg2: memref<10000x128xf32, #tpu.memory_space<vmem>>, %arg3: memref<400x10000xf32, #tpu.memory_space<vmem>>) attributes {dimension_semantics = [#tpu.dimension_semantics<arbitrary>], iteration_bounds = array<i64: 25>, scalar_prefetch = 0 : i64, scratch_operands = 0 : i64, tpu.core_type = #tpu.core_type<tc>, window_params = [{transform_indices = @transform_0, window_bounds = array<i64: 400, 128>}, {pipeline_mode = #tpu.pipeline_mode<synchronous>, transform_indices = @transform_1, window_bounds = array<i64: 10000, 128>}, {transform_indices = @transform_2, window_bounds = array<i64: 400, 10000>}]} {
    %get3A = arith.constant 0 : index
    %get3A_0 = arith.constant 0 : index
    %get3A_1 = vector.load %arg1[%get3A, %get3A_0] : memref<400x128xf32, #tpu.memory_space<vmem>>, vector<400x128xf32>
    %get3A_2 = arith.constant 0 : index
    %get3A_3 = arith.constant 0 : index
    %get3A_4 = vector.load %arg2[%get3A_2, %get3A_3] : memref<10000x128xf32, #tpu.memory_space<vmem>>, vector<10000x128xf32>
    %dot_general3A = arith.constant dense<0.000000e+00> : vector<400x10000xf32>
    %dot_general3A_5 = tpu.matmul %get3A_1, %get3A_4, %dot_general3A {dimension_numbers = #tpu.dot_dimension_numbers<[1], [1], [0], [0], [0, 0, 1, 0], [], []>, transpose_lhs_hint = false} : vector<400x128xf32>, vector<10000x128xf32>, vector<400x10000xf32> -> vector<400x10000xf32>
    %swap3A = arith.constant 0 : index
    %swap3A_6 = arith.constant 0 : index
    %swap3A_7 = vector.load %arg3[%swap3A, %swap3A_6] : memref<400x10000xf32, #tpu.memory_space<vmem>>, vector<400x10000xf32>
    tpu.vector_store %arg3[%swap3A, %swap3A_6], %dot_general3A_5 {strides = array<i32>} : memref<400x10000xf32, #tpu.memory_space<vmem>>, vector<400x10000xf32>,
    return
  }
  func.func @transform_0(%arg0: i32) -> (i32, i32) {
    %c0_i32 = arith.constant 0 : i32
    %c0_i32_0 = arith.constant 0 : i32
    return %arg0, %c0_i32 : i32, i32
  }
  func.func @transform_1(%arg0: i32) -> (i32, i32) {
    %c0_i32 = arith.constant 0 : i32
    %c0_i32_0 = arith.constant 0 : i32
    %c0_i32_1 = arith.constant 0 : i32
    return %c0_i32, %c0_i32_0 : i32, i32
  }
  func.func @transform_2(%arg0: i32) -> (i32, i32) {
    %c0_i32 = arith.constant 0 : i32
    %c0_i32_0 = arith.constant 0 : i32
    return %arg0, %c0_i32 : i32, i32
  }
}

module attributes {stable_mosaic.version = 14 : i64} {
  func.func @_final_body(%arg0: memref<32x4608xf32, #tpu.memory_space<vmem>>, %arg1: memref<32x4608xf32, #tpu.memory_space<vmem>>, %arg2: memref<10000x128xf32, #tpu.memory_space<vmem>>, %arg3: memref<10000x128xf32, #tpu.memory_space<vmem>>, %arg4: memref<1xf32, #tpu.memory_space<smem>>) attributes {dimension_semantics = [], scalar_prefetch = 0 : i64, scratch_operands = 0 : i64, tpu.core_type = #tpu.core_type<tc>} {
    %get3A = arith.constant 0 : index
    %get3A_0 = arith.constant 0 : index
    %get3A_1 = vector.load %arg0[%get3A, %get3A_0] : memref<32x4608xf32, #tpu.memory_space<vmem>>, vector<32x4608xf32>
    %get3A_2 = arith.constant 0 : index
    %get3A_3 = arith.constant 0 : index
    %get3A_4 = vector.load %arg1[%get3A_2, %get3A_3] : memref<32x4608xf32, #tpu.memory_space<vmem>>, vector<32x4608xf32>
    %get3A_5 = arith.constant 0 : index
    %get3A_6 = arith.constant 0 : index
    %get3A_7 = vector.load %arg2[%get3A_5, %get3A_6] : memref<10000x128xf32, #tpu.memory_space<vmem>>, vector<10000x128xf32>
    %get3A_8 = arith.constant 0 : index
    %get3A_9 = arith.constant 0 : index
    %get3A_10 = vector.load %arg3[%get3A_8, %get3A_9] : memref<10000x128xf32, #tpu.memory_space<vmem>>, vector<10000x128xf32>
    %scan3A = arith.constant 1024 : i32
    %scan3A_11 = arith.constant 0 : i32
    %scan3A_12 = arith.constant 0 : i32
    %scan3A_13 = arith.constant 32 : i32
    %scan3A_14 = arith.addi %scan3A_12, %scan3A_13 : i32
    %scan3A_15 = arith.constant 1 : i32
    %scan3A_16 = scf.for %scan3A_207 = %scan3A_12 to %scan3A_14 step %scan3A_15 iter_args(%scan3A_208 = %scan3A_11) -> (i32)  : i32 {
      %sub3A_209 = arith.constant 31 : i32
      %sub3A_210 = arith.subi %sub3A_209, %scan3A_207 : i32
      %shift_left3A = arith.constant 1 : i32
      %shift_left3A_211 = arith.shli %shift_left3A, %sub3A_210 : i32
      %or3A = arith.ori %scan3A_208, %shift_left3A_211 : i32
      %broadcast_in_dim3A_212 = vector.broadcast %or3A : i32 to vector<32x4608xi32>
      %xor3A_213 = arith.constant -2147483648 : i32
      %xor3A_214 = vector.broadcast %xor3A_213 : i32 to vector<32x4608xi32>
      %xor3A_215 = arith.xori %broadcast_in_dim3A_212, %xor3A_214 : vector<32x4608xi32>
      %ge3A_216 = arith.constant 0 : i32
      %ge3A_217 = vector.broadcast %ge3A_216 : i32 to vector<32x4608xi32>
      %ge3A_218 = arith.cmpi sge, %xor3A_215, %ge3A_217 : vector<32x4608xi32>
      %xor3A_219 = arith.constant 2147483647 : i32
      %xor3A_220 = vector.broadcast %xor3A_219 : i32 to vector<32x4608xi32>
      %xor3A_221 = arith.xori %xor3A_215, %xor3A_220 : vector<32x4608xi32>
      %select_n3A_222 = arith.select %ge3A_218, %xor3A_215, %xor3A_221 : vector<32x4608xi1>, vector<32x4608xi32>
      %bitcast_convert_type3A_223 = tpu.bitcast %select_n3A_222 : vector<32x4608xi32> -> vector<32x4608xf32>
      %ge3A_224 = arith.cmpf oge, %get3A_1, %bitcast_convert_type3A_223 : vector<32x4608xf32>
      %convert_element_type3A_225 = arith.extui %ge3A_224 : vector<32x4608xi1> to vector<32x4608xi32>
      %reduce_sum3A_226 = vector.shape_cast %convert_element_type3A_225 : vector<32x4608xi32> to vector<1x32x4608xi32>
      %reduce_sum3A_227 = arith.constant dense<0> : vector<1xi32>
      %reduce_sum3A_228 = vector.multi_reduction <add>, %reduce_sum3A_226, %reduce_sum3A_227 [1, 2] : vector<1x32x4608xi32> to vector<1xi32>
      %reduce_sum3A_229 = vector.shape_cast %reduce_sum3A_228 : vector<1xi32> to vector<1x1x1xi32>
      %reduce_sum3A_230 = vector.extract %reduce_sum3A_229[0, 0, 0] : i32 from vector<1x1x1xi32>
      %ge3A_231 = arith.cmpi sge, %reduce_sum3A_230, %scan3A : i32
      %select_n3A_232 = arith.select %ge3A_231, %or3A, %scan3A_208 : i32
      scf.yield %select_n3A_232 : i32
    }
    %scan3A_17 = arith.constant 32 : i32
    %broadcast_in_dim3A = vector.broadcast %scan3A_16 : i32 to vector<32x4608xi32>
    %xor3A = arith.constant -2147483648 : i32
    %xor3A_18 = vector.broadcast %xor3A : i32 to vector<32x4608xi32>
    %xor3A_19 = arith.xori %broadcast_in_dim3A, %xor3A_18 : vector<32x4608xi32>
    %ge3A = arith.constant 0 : i32
    %ge3A_20 = vector.broadcast %ge3A : i32 to vector<32x4608xi32>
    %ge3A_21 = arith.cmpi sge, %xor3A_19, %ge3A_20 : vector<32x4608xi32>
    %xor3A_22 = arith.constant 2147483647 : i32
    %xor3A_23 = vector.broadcast %xor3A_22 : i32 to vector<32x4608xi32>
    %xor3A_24 = arith.xori %xor3A_19, %xor3A_23 : vector<32x4608xi32>
    %select_n3A = arith.select %ge3A_21, %xor3A_19, %xor3A_24 : vector<32x4608xi1>, vector<32x4608xi32>
    %bitcast_convert_type3A = tpu.bitcast %select_n3A : vector<32x4608xi32> -> vector<32x4608xf32>
    %reduce_max3A = vector.shape_cast %bitcast_convert_type3A : vector<32x4608xf32> to vector<1x32x4608xf32>
    %reduce_max3A_25 = arith.constant dense<0xFF800000> : vector<1xf32>
    %reduce_max3A_26 = vector.multi_reduction <maximumf>, %reduce_max3A, %reduce_max3A_25 [1, 2] : vector<1x32x4608xf32> to vector<1xf32>
    %reduce_max3A_27 = vector.shape_cast %reduce_max3A_26 : vector<1xf32> to vector<1x1x1xf32>
    %reduce_max3A_28 = vector.extract %reduce_max3A_27[0, 0, 0] : f32 from vector<1x1x1xf32>
    %custom_jvp_call3A = arith.constant 0.000000e+00 : f32
    %max3A = vector.broadcast %custom_jvp_call3A : f32 to vector<32x4608xf32>
    %max3A_29 = arith.maximumf %max3A, %bitcast_convert_type3A : vector<32x4608xf32>
    %sub3A = vector.broadcast %custom_jvp_call3A : f32 to vector<32x4608xf32>
    %sub3A_30 = arith.subf %sub3A, %bitcast_convert_type3A : vector<32x4608xf32>
    %ne3A = arith.cmpf one, %sub3A_30, %sub3A_30 : vector<32x4608xf32>
    %add3A = vector.broadcast %custom_jvp_call3A : f32 to vector<32x4608xf32>
    %add3A_31 = arith.addf %add3A, %bitcast_convert_type3A : vector<32x4608xf32>
    %abs3A = math.absf %sub3A_30 : vector<32x4608xf32>
    %neg3A = arith.constant 0.000000e+00 : f32
    %neg3A_32 = vector.broadcast %neg3A : f32 to vector<32x4608xf32>
    %neg3A_33 = arith.subf %neg3A_32, %abs3A : vector<32x4608xf32>
    %exp3A = math.exp %neg3A_33 : vector<32x4608xf32>
    %log1p3A = math.log1p %exp3A : vector<32x4608xf32>
    %add3A_34 = arith.addf %max3A_29, %log1p3A : vector<32x4608xf32>
    %select_n3A_35 = arith.select %ne3A, %add3A_31, %add3A_34 : vector<32x4608xi1>, vector<32x4608xf32>
    %reduce_max3A_36 = vector.shape_cast %select_n3A_35 : vector<32x4608xf32> to vector<1x32x4608xf32>
    %reduce_max3A_37 = arith.constant dense<0xFF800000> : vector<1xf32>
    %reduce_max3A_38 = vector.multi_reduction <maximumf>, %reduce_max3A_36, %reduce_max3A_37 [1, 2] : vector<1x32x4608xf32> to vector<1xf32>
    %reduce_max3A_39 = vector.shape_cast %reduce_max3A_38 : vector<1xf32> to vector<1x1x1xf32>
    %reduce_max3A_40 = vector.extract %reduce_max3A_39[0, 0, 0] : f32 from vector<1x1x1xf32>
    %gt3A = arith.cmpf ogt, %get3A_1, %bitcast_convert_type3A : vector<32x4608xf32>
    %convert_element_type3A = arith.extui %gt3A : vector<32x4608xi1> to vector<32x4608xi32>
    %reduce_sum3A = vector.shape_cast %convert_element_type3A : vector<32x4608xi32> to vector<1x32x4608xi32>
    %reduce_sum3A_41 = arith.constant dense<0> : vector<1xi32>
    %reduce_sum3A_42 = vector.multi_reduction <add>, %reduce_sum3A, %reduce_sum3A_41 [1, 2] : vector<1x32x4608xi32> to vector<1xi32>
    %reduce_sum3A_43 = vector.shape_cast %reduce_sum3A_42 : vector<1xi32> to vector<1x1x1xi32>
    %reduce_sum3A_44 = vector.extract %reduce_sum3A_43[0, 0, 0] : i32 from vector<1x1x1xi32>
    %custom_jvp_call3A_45 = arith.constant 0.000000e+00 : f32
    %max3A_46 = vector.broadcast %custom_jvp_call3A_45 : f32 to vector<32x4608xf32>
    %max3A_47 = arith.maximumf %max3A_46, %get3A_1 : vector<32x4608xf32>
    %sub3A_48 = vector.broadcast %custom_jvp_call3A_45 : f32 to vector<32x4608xf32>
    %sub3A_49 = arith.subf %sub3A_48, %get3A_1 : vector<32x4608xf32>
    %ne3A_50 = arith.cmpf one, %sub3A_49, %sub3A_49 : vector<32x4608xf32>
    %add3A_51 = vector.broadcast %custom_jvp_call3A_45 : f32 to vector<32x4608xf32>
    %add3A_52 = arith.addf %add3A_51, %get3A_1 : vector<32x4608xf32>
    %abs3A_53 = math.absf %sub3A_49 : vector<32x4608xf32>
    %neg3A_54 = arith.constant 0.000000e+00 : f32
    %neg3A_55 = vector.broadcast %neg3A_54 : f32 to vector<32x4608xf32>
    %neg3A_56 = arith.subf %neg3A_55, %abs3A_53 : vector<32x4608xf32>
    %exp3A_57 = math.exp %neg3A_56 : vector<32x4608xf32>
    %log1p3A_58 = math.log1p %exp3A_57 : vector<32x4608xf32>
    %add3A_59 = arith.addf %max3A_47, %log1p3A_58 : vector<32x4608xf32>
    %select_n3A_60 = arith.select %ne3A_50, %add3A_52, %add3A_59 : vector<32x4608xi1>, vector<32x4608xf32>
    %jit3A = arith.constant 0.000000e+00 : f32
    %broadcast_in_dim3A_61 = vector.broadcast %jit3A : f32 to vector<32x4608xf32>
    %select_n3A_62 = arith.select %gt3A, %select_n3A_60, %broadcast_in_dim3A_61 : vector<32x4608xi1>, vector<32x4608xf32>
    %reduce_sum3A_63 = vector.shape_cast %select_n3A_62 : vector<32x4608xf32> to vector<1x32x4608xf32>
    %reduce_sum3A_64 = arith.constant dense<0.000000e+00> : vector<1xf32>
    %reduce_sum3A_65 = vector.multi_reduction <add>, %reduce_sum3A_63, %reduce_sum3A_64 [1, 2] : vector<1x32x4608xf32> to vector<1xf32>
    %reduce_sum3A_66 = vector.shape_cast %reduce_sum3A_65 : vector<1xf32> to vector<1x1x1xf32>
    %reduce_sum3A_67 = vector.extract %reduce_sum3A_66[0, 0, 0] : f32 from vector<1x1x1xf32>
    %jit3A_68 = arith.constant 0.000000e+00 : f32
    %broadcast_in_dim3A_69 = vector.broadcast %jit3A_68 : f32 to vector<32x4608xf32>
    %select_n3A_70 = arith.select %gt3A, %get3A_1, %broadcast_in_dim3A_69 : vector<32x4608xi1>, vector<32x4608xf32>
    %reduce_sum3A_71 = vector.shape_cast %select_n3A_70 : vector<32x4608xf32> to vector<1x32x4608xf32>
    %reduce_sum3A_72 = arith.constant dense<0.000000e+00> : vector<1xf32>
    %reduce_sum3A_73 = vector.multi_reduction <add>, %reduce_sum3A_71, %reduce_sum3A_72 [1, 2] : vector<1x32x4608xf32> to vector<1xf32>
    %reduce_sum3A_74 = vector.shape_cast %reduce_sum3A_73 : vector<1xf32> to vector<1x1x1xf32>
    %reduce_sum3A_75 = vector.extract %reduce_sum3A_74[0, 0, 0] : f32 from vector<1x1x1xf32>
    %sub3A_76 = arith.constant 1024 : i32
    %sub3A_77 = arith.subi %sub3A_76, %reduce_sum3A_44 : i32
    %convert_element_type3A_78 = arith.sitofp %sub3A_77 : i32 to f32
    %mul3A = arith.mulf %convert_element_type3A_78, %reduce_max3A_40 : f32
    %add3A_79 = arith.addf %reduce_sum3A_67, %mul3A : f32
    %mul3A_80 = arith.mulf %convert_element_type3A_78, %reduce_max3A_28 : f32
    %add3A_81 = arith.addf %reduce_sum3A_75, %mul3A_80 : f32
    %scan3A_82 = arith.constant 1024 : i32
    %scan3A_83 = arith.constant 0 : i32
    %scan3A_84 = arith.constant 0 : i32
    %scan3A_85 = arith.constant 32 : i32
    %scan3A_86 = arith.addi %scan3A_84, %scan3A_85 : i32
    %scan3A_87 = arith.constant 1 : i32
    %scan3A_88 = scf.for %scan3A_207 = %scan3A_84 to %scan3A_86 step %scan3A_87 iter_args(%scan3A_208 = %scan3A_83) -> (i32)  : i32 {
      %sub3A_209 = arith.constant 31 : i32
      %sub3A_210 = arith.subi %sub3A_209, %scan3A_207 : i32
      %shift_left3A = arith.constant 1 : i32
      %shift_left3A_211 = arith.shli %shift_left3A, %sub3A_210 : i32
      %sub3A_212 = arith.constant 1 : i32
      %sub3A_213 = arith.subi %shift_left3A_211, %sub3A_212 : i32
      %or3A = arith.ori %scan3A_208, %sub3A_213 : i32
      %broadcast_in_dim3A_214 = vector.broadcast %or3A : i32 to vector<32x4608xi32>
      %xor3A_215 = arith.constant -2147483648 : i32
      %xor3A_216 = vector.broadcast %xor3A_215 : i32 to vector<32x4608xi32>
      %xor3A_217 = arith.xori %broadcast_in_dim3A_214, %xor3A_216 : vector<32x4608xi32>
      %ge3A_218 = arith.constant 0 : i32
      %ge3A_219 = vector.broadcast %ge3A_218 : i32 to vector<32x4608xi32>
      %ge3A_220 = arith.cmpi sge, %xor3A_217, %ge3A_219 : vector<32x4608xi32>
      %xor3A_221 = arith.constant 2147483647 : i32
      %xor3A_222 = vector.broadcast %xor3A_221 : i32 to vector<32x4608xi32>
      %xor3A_223 = arith.xori %xor3A_217, %xor3A_222 : vector<32x4608xi32>
      %select_n3A_224 = arith.select %ge3A_220, %xor3A_217, %xor3A_223 : vector<32x4608xi1>, vector<32x4608xi32>
      %bitcast_convert_type3A_225 = tpu.bitcast %select_n3A_224 : vector<32x4608xi32> -> vector<32x4608xf32>
      %le3A = arith.cmpf ole, %get3A_4, %bitcast_convert_type3A_225 : vector<32x4608xf32>
      %convert_element_type3A_226 = arith.extui %le3A : vector<32x4608xi1> to vector<32x4608xi32>
      %reduce_sum3A_227 = vector.shape_cast %convert_element_type3A_226 : vector<32x4608xi32> to vector<1x32x4608xi32>
      %reduce_sum3A_228 = arith.constant dense<0> : vector<1xi32>
      %reduce_sum3A_229 = vector.multi_reduction <add>, %reduce_sum3A_227, %reduce_sum3A_228 [1, 2] : vector<1x32x4608xi32> to vector<1xi32>
      %reduce_sum3A_230 = vector.shape_cast %reduce_sum3A_229 : vector<1xi32> to vector<1x1x1xi32>
      %reduce_sum3A_231 = vector.extract %reduce_sum3A_230[0, 0, 0] : i32 from vector<1x1x1xi32>
      %ge3A_232 = arith.cmpi sge, %reduce_sum3A_231, %scan3A_82 : i32
      %sub3A_233 = arith.constant 31 : i32
      %sub3A_234 = arith.subi %sub3A_233, %scan3A_207 : i32
      %shift_left3A_235 = arith.constant 1 : i32
      %shift_left3A_236 = arith.shli %shift_left3A_235, %sub3A_234 : i32
      %or3A_237 = arith.ori %scan3A_208, %shift_left3A_236 : i32
      %select_n3A_238 = arith.select %ge3A_232, %scan3A_208, %or3A_237 : i32
      scf.yield %select_n3A_238 : i32
    }
    %scan3A_89 = arith.constant 32 : i32
    %broadcast_in_dim3A_90 = vector.broadcast %scan3A_88 : i32 to vector<32x4608xi32>
    %xor3A_91 = arith.constant -2147483648 : i32
    %xor3A_92 = vector.broadcast %xor3A_91 : i32 to vector<32x4608xi32>
    %xor3A_93 = arith.xori %broadcast_in_dim3A_90, %xor3A_92 : vector<32x4608xi32>
    %ge3A_94 = arith.constant 0 : i32
    %ge3A_95 = vector.broadcast %ge3A_94 : i32 to vector<32x4608xi32>
    %ge3A_96 = arith.cmpi sge, %xor3A_93, %ge3A_95 : vector<32x4608xi32>
    %xor3A_97 = arith.constant 2147483647 : i32
    %xor3A_98 = vector.broadcast %xor3A_97 : i32 to vector<32x4608xi32>
    %xor3A_99 = arith.xori %xor3A_93, %xor3A_98 : vector<32x4608xi32>
    %select_n3A_100 = arith.select %ge3A_96, %xor3A_93, %xor3A_99 : vector<32x4608xi1>, vector<32x4608xi32>
    %bitcast_convert_type3A_101 = tpu.bitcast %select_n3A_100 : vector<32x4608xi32> -> vector<32x4608xf32>
    %custom_jvp_call3A_102 = arith.constant 0.000000e+00 : f32
    %max3A_103 = vector.broadcast %custom_jvp_call3A_102 : f32 to vector<32x4608xf32>
    %max3A_104 = arith.maximumf %max3A_103, %bitcast_convert_type3A_101 : vector<32x4608xf32>
    %sub3A_105 = vector.broadcast %custom_jvp_call3A_102 : f32 to vector<32x4608xf32>
    %sub3A_106 = arith.subf %sub3A_105, %bitcast_convert_type3A_101 : vector<32x4608xf32>
    %ne3A_107 = arith.cmpf one, %sub3A_106, %sub3A_106 : vector<32x4608xf32>
    %add3A_108 = vector.broadcast %custom_jvp_call3A_102 : f32 to vector<32x4608xf32>
    %add3A_109 = arith.addf %add3A_108, %bitcast_convert_type3A_101 : vector<32x4608xf32>
    %abs3A_110 = math.absf %sub3A_106 : vector<32x4608xf32>
    %neg3A_111 = arith.constant 0.000000e+00 : f32
    %neg3A_112 = vector.broadcast %neg3A_111 : f32 to vector<32x4608xf32>
    %neg3A_113 = arith.subf %neg3A_112, %abs3A_110 : vector<32x4608xf32>
    %exp3A_114 = math.exp %neg3A_113 : vector<32x4608xf32>
    %log1p3A_115 = math.log1p %exp3A_114 : vector<32x4608xf32>
    %add3A_116 = arith.addf %max3A_104, %log1p3A_115 : vector<32x4608xf32>
    %select_n3A_117 = arith.select %ne3A_107, %add3A_109, %add3A_116 : vector<32x4608xi1>, vector<32x4608xf32>
    %reduce_max3A_118 = vector.shape_cast %select_n3A_117 : vector<32x4608xf32> to vector<1x32x4608xf32>
    %reduce_max3A_119 = arith.constant dense<0xFF800000> : vector<1xf32>
    %reduce_max3A_120 = vector.multi_reduction <maximumf>, %reduce_max3A_118, %reduce_max3A_119 [1, 2] : vector<1x32x4608xf32> to vector<1xf32>
    %reduce_max3A_121 = vector.shape_cast %reduce_max3A_120 : vector<1xf32> to vector<1x1x1xf32>
    %reduce_max3A_122 = vector.extract %reduce_max3A_121[0, 0, 0] : f32 from vector<1x1x1xf32>
    %lt3A = arith.cmpf olt, %get3A_4, %bitcast_convert_type3A_101 : vector<32x4608xf32>
    %convert_element_type3A_123 = arith.extui %lt3A : vector<32x4608xi1> to vector<32x4608xi32>
    %reduce_sum3A_124 = vector.shape_cast %convert_element_type3A_123 : vector<32x4608xi32> to vector<1x32x4608xi32>
    %reduce_sum3A_125 = arith.constant dense<0> : vector<1xi32>
    %reduce_sum3A_126 = vector.multi_reduction <add>, %reduce_sum3A_124, %reduce_sum3A_125 [1, 2] : vector<1x32x4608xi32> to vector<1xi32>
    %reduce_sum3A_127 = vector.shape_cast %reduce_sum3A_126 : vector<1xi32> to vector<1x1x1xi32>
    %reduce_sum3A_128 = vector.extract %reduce_sum3A_127[0, 0, 0] : i32 from vector<1x1x1xi32>
    %custom_jvp_call3A_129 = arith.constant 0.000000e+00 : f32
    %max3A_130 = vector.broadcast %custom_jvp_call3A_129 : f32 to vector<32x4608xf32>
    %max3A_131 = arith.maximumf %max3A_130, %get3A_4 : vector<32x4608xf32>
    %sub3A_132 = vector.broadcast %custom_jvp_call3A_129 : f32 to vector<32x4608xf32>
    %sub3A_133 = arith.subf %sub3A_132, %get3A_4 : vector<32x4608xf32>
    %ne3A_134 = arith.cmpf one, %sub3A_133, %sub3A_133 : vector<32x4608xf32>
    %add3A_135 = vector.broadcast %custom_jvp_call3A_129 : f32 to vector<32x4608xf32>
    %add3A_136 = arith.addf %add3A_135, %get3A_4 : vector<32x4608xf32>
    %abs3A_137 = math.absf %sub3A_133 : vector<32x4608xf32>
    %neg3A_138 = arith.constant 0.000000e+00 : f32
    %neg3A_139 = vector.broadcast %neg3A_138 : f32 to vector<32x4608xf32>
    %neg3A_140 = arith.subf %neg3A_139, %abs3A_137 : vector<32x4608xf32>
    %exp3A_141 = math.exp %neg3A_140 : vector<32x4608xf32>
    %log1p3A_142 = math.log1p %exp3A_141 : vector<32x4608xf32>
    %add3A_143 = arith.addf %max3A_131, %log1p3A_142 : vector<32x4608xf32>
    %select_n3A_144 = arith.select %ne3A_134, %add3A_136, %add3A_143 : vector<32x4608xi1>, vector<32x4608xf32>
    %jit3A_145 = arith.constant 0.000000e+00 : f32
    %broadcast_in_dim3A_146 = vector.broadcast %jit3A_145 : f32 to vector<32x4608xf32>
    %select_n3A_147 = arith.select %lt3A, %select_n3A_144, %broadcast_in_dim3A_146 : vector<32x4608xi1>, vector<32x4608xf32>
    %reduce_sum3A_148 = vector.shape_cast %select_n3A_147 : vector<32x4608xf32> to vector<1x32x4608xf32>
    %reduce_sum3A_149 = arith.constant dense<0.000000e+00> : vector<1xf32>
    %reduce_sum3A_150 = vector.multi_reduction <add>, %reduce_sum3A_148, %reduce_sum3A_149 [1, 2] : vector<1x32x4608xf32> to vector<1xf32>
    %reduce_sum3A_151 = vector.shape_cast %reduce_sum3A_150 : vector<1xf32> to vector<1x1x1xf32>
    %reduce_sum3A_152 = vector.extract %reduce_sum3A_151[0, 0, 0] : f32 from vector<1x1x1xf32>
    %sub3A_153 = arith.constant 1024 : i32
    %sub3A_154 = arith.subi %sub3A_153, %reduce_sum3A_128 : i32
    %convert_element_type3A_155 = arith.sitofp %sub3A_154 : i32 to f32
    %mul3A_156 = arith.mulf %convert_element_type3A_155, %reduce_max3A_122 : f32
    %add3A_157 = arith.addf %reduce_sum3A_152, %mul3A_156 : f32
    %mul3A_158 = arith.mulf %get3A_7, %get3A_10 : vector<10000x128xf32>
    %reduce_sum3A_159 = arith.constant dense<0.000000e+00> : vector<10000xf32>
    %reduce_sum3A_160 = vector.multi_reduction <add>, %mul3A_158, %reduce_sum3A_159 [1] : vector<10000x128xf32> to vector<10000xf32>
    %broadcast_in_dim3A_161 = vector.shape_cast %reduce_sum3A_160 : vector<10000xf32> to vector<10000x1xf32>
    %custom_jvp_call3A_162 = arith.constant 0.000000e+00 : f32
    %max3A_163 = vector.broadcast %custom_jvp_call3A_162 : f32 to vector<10000x1xf32>
    %max3A_164 = arith.maximumf %max3A_163, %broadcast_in_dim3A_161 : vector<10000x1xf32>
    %sub3A_165 = vector.broadcast %custom_jvp_call3A_162 : f32 to vector<10000x1xf32>
    %sub3A_166 = arith.subf %sub3A_165, %broadcast_in_dim3A_161 : vector<10000x1xf32>
    %ne3A_167 = arith.cmpf one, %sub3A_166, %sub3A_166 : vector<10000x1xf32>
    %add3A_168 = vector.broadcast %custom_jvp_call3A_162 : f32 to vector<10000x1xf32>
    %add3A_169 = arith.addf %add3A_168, %broadcast_in_dim3A_161 : vector<10000x1xf32>
    %abs3A_170 = math.absf %sub3A_166 : vector<10000x1xf32>
    %neg3A_171 = arith.constant 0.000000e+00 : f32
    %neg3A_172 = vector.broadcast %neg3A_171 : f32 to vector<10000x1xf32>
    %neg3A_173 = arith.subf %neg3A_172, %abs3A_170 : vector<10000x1xf32>
    %exp3A_174 = math.exp %neg3A_173 : vector<10000x1xf32>
    %log1p3A_175 = math.log1p %exp3A_174 : vector<10000x1xf32>
    %add3A_176 = arith.addf %max3A_164, %log1p3A_175 : vector<10000x1xf32>
    %select_n3A_177 = arith.select %ne3A_167, %add3A_169, %add3A_176 : vector<10000x1xi1>, vector<10000x1xf32>
    %reduce_sum3A_178 = vector.shape_cast %select_n3A_177 : vector<10000x1xf32> to vector<1x10000x1xf32>
    %reduce_sum3A_179 = arith.constant dense<0.000000e+00> : vector<1xf32>
    %reduce_sum3A_180 = vector.multi_reduction <add>, %reduce_sum3A_178, %reduce_sum3A_179 [1, 2] : vector<1x10000x1xf32> to vector<1xf32>
    %reduce_sum3A_181 = vector.shape_cast %reduce_sum3A_180 : vector<1xf32> to vector<1x1x1xf32>
    %reduce_sum3A_182 = vector.extract %reduce_sum3A_181[0, 0, 0] : f32 from vector<1x1x1xf32>
    %reduce_sum3A_183 = vector.shape_cast %broadcast_in_dim3A_161 : vector<10000x1xf32> to vector<1x10000x1xf32>
    %reduce_sum3A_184 = arith.constant dense<0.000000e+00> : vector<1xf32>
    %reduce_sum3A_185 = vector.multi_reduction <add>, %reduce_sum3A_183, %reduce_sum3A_184 [1, 2] : vector<1x10000x1xf32> to vector<1xf32>
    %reduce_sum3A_186 = vector.shape_cast %reduce_sum3A_185 : vector<1xf32> to vector<1x1x1xf32>
    %reduce_sum3A_187 = vector.extract %reduce_sum3A_186[0, 0, 0] : f32 from vector<1x1x1xf32>
    %sub3A_188 = arith.subf %get3A_7, %get3A_10 : vector<10000x128xf32>
    %integer_pow3A = arith.mulf %sub3A_188, %sub3A_188 : vector<10000x128xf32>
    %reduce_sum3A_189 = vector.shape_cast %integer_pow3A : vector<10000x128xf32> to vector<1x10000x128xf32>
    %reduce_sum3A_190 = arith.constant dense<0.000000e+00> : vector<1xf32>
    %reduce_sum3A_191 = vector.multi_reduction <add>, %reduce_sum3A_189, %reduce_sum3A_190 [1, 2] : vector<1x10000x128xf32> to vector<1xf32>
    %reduce_sum3A_192 = vector.shape_cast %reduce_sum3A_191 : vector<1xf32> to vector<1x1x1xf32>
    %reduce_sum3A_193 = vector.extract %reduce_sum3A_192[0, 0, 0] : f32 from vector<1x1x1xf32>
    %div3A = arith.constant 1.280000e+06 : f32
    %div3A_194 = arith.divf %reduce_sum3A_193, %div3A : f32
    %add3A_195 = arith.addf %add3A_79, %add3A_157 : f32
    %add3A_196 = arith.addf %add3A_195, %reduce_sum3A_182 : f32
    %add3A_197 = arith.addf %add3A_81, %reduce_sum3A_187 : f32
    %sub3A_198 = arith.subf %add3A_196, %add3A_197 : f32
    %div3A_199 = arith.constant 1.204800e+04 : f32
    %div3A_200 = arith.divf %sub3A_198, %div3A_199 : f32
    %mul3A_201 = arith.constant 5.000000e-01 : f32
    %mul3A_202 = arith.mulf %mul3A_201, %div3A_194 : f32
    %mul3A_203 = arith.constant 1.000000e+04 : f32
    %mul3A_204 = arith.mulf %mul3A_202, %mul3A_203 : f32
    %add3A_205 = arith.addf %div3A_200, %mul3A_204 : f32
    %swap3A = arith.constant 0 : index
    %swap3A_206 = memref.load %arg4[%swap3A] : memref<1xf32, #tpu.memory_space<smem>>
    memref.store %add3A_205, %arg4[%swap3A] : memref<1xf32, #tpu.memory_space<smem>>
    return
  }
}

</mosaic_0001>

<sc_bundles>
// kernel: kernel.10.cloned.1.call-start
scs
__scs_entry_jumppad:
0x0: {  	(pc) =	sbr.rel $0x88, $3  }
0x1: {  	(tag) =	ssettag $0x0;
	lr =	simm.s32 $0x1  }
0x2: {  	[smem:$0x3F9F] =	sst lr;
	_ =	strace $0xD0000000  }
0x3: {  	_ = 	snop  }
0x4: {  	_ = 	snop  }
0x5: {  	_ = 	snop  }
0x6: {  	_ = 	snop  }
0x7: {  	_ = 	snop  }
__scs_overlays_trampoline_lowered:
0x8: {  	[smem:$0x3FAE] =	sst s0  }
0x9: {  	[smem:$0x3FAF] =	sst s1  }
0xa: {  	[smem:$0x3FB0] =	sst s2  }
0xb: {  	[smem:$0x3FB1] =	sst s3  }
0xc: {  	[smem:$0x3FB2] =	sst s4  }
0xd: {  	[smem:$0x3FB3] =	sst s5  }
0xe: {  	[smem:$0x3FB4] =	sst s6  }
0xf: {  	[smem:$0x3FB5] =	sst s7  }
0x10: {  	[smem:$0x3FB6] =	sst s8  }
0x11: {  	[smem:$0x3FB7] =	sst s9;
	s0 =	simm.s32 @!p0 $0x0  }
0x12: {  	s1 =	sld [smem:$0x3F9D];
	s0 =	simm.s32 @p0 $0x1  }
0x13: {  	[smem:$0x3FB8] =	sst s0;
	s0 =	simm.s32 @!p1 $0x0  }
0x14: {  	s2 =	sld [smem:$0x3F9C];
	s0 =	simm.s32 @p1 $0x1  }
0x15: {  	[smem:$0x3FB9] =	sst s0;
	s0 =	simm.s32 @!p2 $0x0  }
0x16: {  	s3 =	sld [smem:$0x3FDB];
	s0 =	simm.s32 @p2 $0x1  }
0x17: {  	s4 =	simm.s32 $0x1BF5;
	[smem:$0x3FBB] =	sst s0  }
0x18: {  	s0 =	sld [smem:$0x3F9E];
	_ =	swait.ge [sflag:s4], $0x0  }
0x19: {  	s7 =	sld [smem:$0x3F9F]  }
0x1a: {  	s8 =	sadd.s32 $0xFFFFE003, lr  }
0x1b: {  	s9 =	sadd.s32 $0xFFFFFEF7, lr;
	s5 =	simm.s32 $0xFFFFFFFF;
	p2 =	slt.u32 s8, $0xFFFFF086  }
0x1c: {  	p1 =	slt.u32 s9, $0xF7A;
	s5 =	simm.s32 @!p2 $0x0  }
0x1d: {  	s5 =	simm.s32 @p1 $0x1;
	p0 =	seq.s32 s7, s2  }
0x1e: {  	s7 =	smul.u32 @!p0 $0xF7A, s2;
	p2 =	seq.s32 @!p0 s5, $0x0  }
0x1f: {  	s9 =	smul.u32 $0xF7A, s1;
	s8 =	simm.s32 @!p0 $0x1BF5;
	p2 =	por !p2, p0  }
0x20: {  	[sflag:s8] =	ssyncset.s32 @!p0 $0xFFFFF086;
	s6 =	sadd.s32 @!p0 s3, s7;
	s7 =	simm.s32 @!p0 $0x108  }
0x21: {  	s3 =	sadd.s32 s3, s9;
	s6 =	sadd.s32 @!p0 $0x88, s6;
	s7 =	simm.s32 @p2 $0x1082  }
0x22: {  	[simem:s7], [sflag:s8] =	dma.local @!p0 [hbm:s6], $0xF7A  }
0x23: {  	s9 =	sor.u32 $0xD0000000, s2;
	s6 =	simm.s32 $0x108;
	_ =	swait.ge @!p0 [sflag:s8], $0x0  }
0x24: {  	s3 =	sadd.s32 $0x88, s3;
	s6 =	simm.s32 @!p1 $0x1082;
	[sflag:s4] =	ssyncset.s32 $0xFFFFF086  }
0x25: {  	[simem:s6], [sflag:s4] =	dma.local [hbm:s3], $0xF7A  }
0x26: {  	[smem:$0x3F9F] =	sst s1;
	(tag) =	ssettag s2;
	_ =	strace s9  }
0x27: {  	s1 =	sld [smem:$0x3FAF]  }
0x28: {  	s2 =	sld [smem:$0x3FB0]  }
0x29: {  	s4 =	sld [smem:$0x3FB2]  }
0x2a: {  	p0 =	seq.s32 s5, $0x0;
	s5 =	sld [smem:$0x3FB3]  }
0x2b: {  	s6 =	sld [smem:$0x3FB4]  }
0x2c: {  	s7 =	sld [smem:$0x3FB5]  }
0x2d: {  	s3 =	simm.s32 $0x108;
	s8 =	sld [smem:$0x3FB6]  }
0x2e: {  	s3 =	simm.s32 @!p0 $0x1082;
	s9 =	sld [smem:$0x3FB7]  }
0x2f: {  	lr =	sadd.s32 s0, s3;
	s0 =	sld [smem:$0x3FAE]  }
0x30: {  	s3 =	sld [smem:$0x3FB1]  }
0x31: {  	[smem:$0x3FBA] =	sst s10  }
0x32: {  	s10 =	sld [smem:$0x3FB8];
	_ =	sdelay $0x3  }
0x33: {  	p0 =	seq.s32 s10, $0x1;
	s10 =	sld [smem:$0x3FBA];
	_ =	sdelay $0x3  }
0x34: {  	[smem:$0x3FBA] =	sst s10  }
0x35: {  	s10 =	sld [smem:$0x3FB9];
	_ =	sdelay $0x3  }
0x36: {  	p1 =	seq.s32 s10, $0x1;
	s10 =	sld [smem:$0x3FBA];
	_ =	sdelay $0x3  }
0x37: {  	[smem:$0x3FBA] =	sst s10  }
0x38: {  	s10 =	sld [smem:$0x3FBB]  }
0x39: {  	_ = 	snop;
	(pc) =	sbr.ind lr, $3  }
0x3a: {  	_ = 	snop  }
0x3b: {  	_ = 	snop  }
0x3c: {  	p2 =	seq.s32 s10, $0x1;
	s10 =	sld [smem:$0x3FBA]  }
0x3d: {  	_ =	shalt  }
0x3e: {  	_ =	shalt  }
0x3f: {  	_ =	shalt  }
0x40: {  	_ =	shalt  }
0x41: {  	_ =	shalt  }
0x42: {  	_ =	shalt  }
0x43: {  	_ =	shalt  }
0x44: {  	_ =	shalt  }
0x45: {  	_ =	shalt  }
0x46: {  	_ =	shalt  }
0x47: {  	_ =	shalt  }
0x48: {  	_ =	shalt  }
0x49: {  	_ =	shalt  }
0x4a: {  	_ =	shalt  }
0x4b: {  	_ =	shalt  }
0x4c: {  	_ =	shalt  }
0x4d: {  	_ =	shalt  }
0x4e: {  	_ =	shalt  }
0x4f: {  	_ =	shalt  }
0x50: {  	_ =	shalt  }
0x51: {  	_ =	shalt  }
0x52: {  	_ =	shalt  }
0x53: {  	_ =	shalt  }
0x54: {  	_ =	shalt  }
0x55: {  	_ =	shalt  }
0x56: {  	_ =	shalt  }
0x57: {  	_ =	shalt  }
0x58: {  	_ =	shalt  }
0x59: {  	_ =	shalt  }
0x5a: {  	_ =	shalt  }
0x5b: {  	_ =	shalt  }
0x5c: {  	_ =	shalt  }
0x5d: {  	_ =	shalt  }
0x5e: {  	_ =	shalt  }
0x5f: {  	_ =	shalt  }
0x60: {  	_ =	shalt  }
0x61: {  	_ =	shalt  }
0x62: {  	_ =	shalt  }
0x63: {  	_ =	shalt  }
0x64: {  	_ =	shalt  }
0x65: {  	_ =	shalt  }
0x66: {  	_ =	shalt  }
0x67: {  	_ =	shalt  }
0x68: {  	_ =	shalt  }
0x69: {  	_ =	shalt  }
0x6a: {  	_ =	shalt  }
0x6b: {  	_ =	shalt  }
0x6c: {  	_ =	shalt  }
0x6d: {  	_ =	shalt  }
0x6e: {  	_ =	shalt  }
0x6f: {  	_ =	shalt  }
0x70: {  	_ =	shalt  }
0x71: {  	_ =	shalt  }
0x72: {  	_ =	shalt  }
0x73: {  	_ =	shalt  }
0x74: {  	_ =	shalt  }
0x75: {  	_ =	shalt  }
0x76: {  	_ =	shalt  }
0x77: {  	_ =	shalt  }
0x78: {  	_ =	shalt  }
0x79: {  	_ =	shalt  }
0x7a: {  	_ =	shalt  }
0x7b: {  	_ =	shalt  }
0x7c: {  	_ =	shalt  }
0x7d: {  	_ =	shalt  }
0x7e: {  	_ =	shalt  }
0x7f: {  	_ =	shalt  }
0x80: {  	_ =	shalt  }
0x81: {  	_ =	shalt  }
0x82: {  	_ =	shalt  }
0x83: {  	_ =	shalt  }
0x84: {  	_ =	shalt  }
0x85: {  	_ =	shalt  }
0x86: {  	_ =	shalt  }
0x87: {  	_ =	shalt  }
.Lfunc_end0:
.L_simem_size_0:
called_computation.1_lowered:
.L_overlay_start_0:
0x88: {  	s2 =	sld [smem:$0x3FD9]  }
0x89: {  	s3 =	sld [smem:$0x3FFE];
	_ =	sdelay $0x1  }
0x8a: {  	s1 =	srdreg.scid  }
0x8b: {  	s0 =	sand.u32 $0x1, s1  }
0x8c: {  	s17 =	sshll.u32 s0, $0xA;
	s2 =	sadd.s32 s3, s2  }
0x8d: {  	s2 =	sadd.s32 s2, s17  }
0x8e: {  	[smem:$0x3FC6] =	sst s2  }
0x8f: {  	_ = 	snop  }
0x90: {  	s2 =	sld [smem:$0x3FD0];
	(tm) =	ssettm $0x1  }
0x91: {  	s18 =	sld [smem:$0x3FFB];
	_ =	sdelay $0x3  }
0x92: {  	_ =	strace s18  }
0x93: {  	s3 =	sld [smem:$0x3FFC];
	_ =	sdelay $0x3  }
0x94: {  	_ =	strace s3  }
0x95: {  	s3 =	sld [smem:$0x3FFD];
	_ =	sdelay $0x3  }
0x96: {  	_ =	strace s3  }
0x97: {  	_ =	strace $0x8FFFFFFF  }
0x98: {  	s19 =	sld [smem:$0x3FDB];
	_ =	sdelay $0x1  }
0x99: {  	s4 =	simm.s32 $_scs_section_size  }
0x9a: {  	s5 =	simm.s32 $_size__tile_overlayer_lowered;
	s6 =	simm.s32 $_tile_overlayer_lowered  }
0x9b: {  	s22 =	simm.s32 $0x1BFF;
	s21 =	sshll.u32 s6, $0x1;
	s3 =	sadd.s32 s4, s19  }
0x9c: {  	s7 =	simm.s32 $0x0;
	s20 =	sshll.u32 s5, $0x1;
	s5 =	sadd.s32 s21, s3  }
0x9d: {  	[timem:s7], [sflag:s22] =	dma.local [hbm:s5], s20  }
0x9e: {  	_ =	swait.ge [sflag:s22], s20  }
0x9f: {  	s4 =	ssub.s32 $0x0, s20;
	[sflag:s22] =	ssyncset.done $0x0  }
0xa0: {  	[sflag:s22] =	ssyncadd.s32 s4;
	_ =	sdelay $0x1  }
0xa1: {  	s23 =	simm.s32 $0x1B8B  }
0xa2: {  	_ =	swait.ge [sflag:s23], $0x1  }
0xa3: {  	[sflag:s23] =	ssyncset.done $0x0  }
0xa4: {  	s25 =	simm.s32 $0x1B8E;
	s24 =	sld [smem:$0x3FFE];
	[sflag:s23] =	ssyncadd.s32 $0xFFFFFFFF  }
0xa5: {  	s26 =	simm.s32 $execute0_lowered;
	[smem:$0x3FD2] =	sst s25  }
0xa6: {  	s5 =	sshll.u32 s26, $0x1;
	_ =	strace $0x80000049;
	[dreg:$0x1] =	wrdreg $0xFFFFFFFF  }
0xa7: {  	s28 =	simm.s32 $_size_execute0_lowered;
	s3 =	sadd.s32 s3, s5;
	[dreg:$0x0] =	wrdreg $0x0  }
0xa8: {  	s5 =	sshll.u32 s28, $0x1;
	[dreg:$0x2] =	wrdreg s3  }
0xa9: {  	[dreg:$0x3] =	wrdreg s5  }
0xaa: {  	[dreg:$0x4] =	wrdreg $0xC0  }
0xab: {  	_ =	task [dreg:s7], $0x5FFFF  }
0xac: {  	[dreg:$0x1] =	wrdreg $0xFFFFFFFF  }
0xad: {  	[dreg:$0x0] =	wrdreg $0x60  }
0xae: {  	[dreg:$0x2] =	wrdreg s24  }
0xaf: {  	[dreg:$0x3] =	wrdreg s2  }
0xb0: {  	[dreg:$0x4] =	wrdreg $0x9  }
0xb1: {  	_ =	task.clear_ibuf [dreg:s7], $0x5FFFF;
	_ =	strace $0x90000049  }
0xb2: {  	s29 =	simm.s32 $0x9;
	_ =	strace $0x8000004B  }
0xb3: {  	_ =	swait.ge [sflag:s29], $0x1  }
0xb4: {  	[sflag:s29] =	ssyncadd.s32 $0xFFFFFFFF  }
0xb5: {  	_ =	strace $0x9000004B  }
0xb6: {  	_ =	sfence  }
0xb7: {  	s30 =	sld [smem:$0x0];
	_ =	sdelay $0x2  }
0xb8: {  	s31 =	sshll.u32 s1, $0xD;
	s1 =	sshrl.u32 s1, $0x2  }
0xb9: {  	s3 =	sand.u32 $0x4000, s31;
	s1 =	sadd.s32 s1, s30  }
0xba: {  	s0 =	sor.u32 s3, s0;
	s1 =	sshll.u32 s1, $0x11  }
0xbb: {  	s0 =	sor.u32 s1, s0  }
0xbc: {  	s0 =	sadd.s32 $0x8F2B, s0  }
0xbd: {  	[sflag:s0] =	ssyncadd.remote.s32 $0x1  }
0xbe: {  	_ =	sfence.sel $0xFFFF  }
0xbf: {  	[dreg:$0x0] =	wrdreg $0xFFFFFFFF;
	(pc) =	sbr.abs _section_cstart, $3  }
0xc0: {  	[dreg:$0x1] =	wrdreg $0xFFFFFFFF  }
0xc1: {  	_ =	task.clear_ibuf [dreg:s7], $0x2FFFF;
	_ =	strace $0x9FFFFFFF  }
0xc2: {  	(tm) =	ssettm $0x7FFFFFFF  }
0xc3: {  	_ =	shalt  }
tec
execute0_lowered:
.L_overlay_start_1:
0x0: {  	(tag) =	ssettag $0x1  }
0x1: {  	s7 =	rddreg [dreg:$0x0]  }
0x2: {  	s2 =	rddreg [dreg:$0x1]  }
0x3: {  	s0 =	rddreg [dreg:$0x2]  }
0x4: {  	s4 =	srdreg.scid;
	s1 =	stileid.u32  }
0x5: {  	s3 =	simm.s32 $0x0;
	s12 =	simm.s32 $0x1;
	s13 =	simm.s32 $0x7300  }
0x6: {  	s14 =	simm.s32 $0x80;
	s15 =	simm.s32 $0x400;
	s16 =	simm.s32 $0x7380  }
0x7: {  	s17 =	simm.s32 $0x4E80;
	s18 =	simm.s32 $0x6080;
	s19 =	simm.s32 $0x0  }
0x8: {  	s8 =	sand.u32 $0x1, s4;
	s30 =	sshll.u32 s1, $0x1;
	[smem:$0x7FF] =	sst s3  }
0x9: {  	s5 =	sshrl.u32 s1, $0x2;
	s4 =	sor.u32 s8, s30;
	_ =	strace $0x8000004A  }
0xa: {  	s10 =	sshll.u32 s5, $0xB;
	s11 =	smul.u32 $0x9000, s5;
	s6 =	sshll.u32 s4, $0x7  }
0xb: {  	s5 =	sadd.s32 $0xC10600, s7;
	s8 =	ssub.s32 $0x2, s8;
	s9 =	sand.u32 $0x380, s6  }
.Ltmp0:
0xc: {  	s10 =	sor.u32 s10, s9;
	s9 =	sor.u32 s11, s9;
	(pc) =	sbr.rel .LBB2_1-.Ltmp0, $4  }
0xd: {  	s31 =	sshrl.u32 s8, $0x1;
	s10 =	sshrl.u32 s10, $0x3;
	s9 =	sshrl.u32 s9, $0x3  }
0xe: {  	s6 =	sadd.s32 $0x2C00, s7;
	s10 =	sadd.s32 s10, s7;
	s9 =	sadd.s32 s9, s7  }
0xf: {  	s11 =	ssub.s32 s8, s31;
	s7 =	sadd.s32 $0x2800, s10;
	s8 =	sadd.s32 $0x2E00, s9  }
0x10: {  	v0 =	vimm.f32 $-Inf;
	v1 =	vimm.f32 $+Inf;
	v2 =	vimm.s32 $0x0;
	s9 =	sadd.s32 $0x7600, s9;
	s10 =	smax.u32 s11, $0x1;
	s11 =	simm.s32 $0x7280  }
.LBB2_19:
0x11: {  	[hbm4b:s8+s14] =	stream.strided.scatter [tilespmem:s17], [sflag:$0x1], $0x1200, s15, s14, $0x38;
	[tilespmem:$0x7480] =	vst v63  }
0x12: {  	s19 =	sadd.s32 $0x1, s19;
	_ =	swait.ge [sflag:s12], $0x1200  }
0x13: {  	p0 =	sne.s32 s19, s10;
	[sflag:s12] =	ssyncset.done $0x0  }
.Ltmp1:
0x14: {  	[sflag:s12] =	ssyncadd.s32 $0xFFFFEE00;
	(pc) =	sbr.rel @!p0 .LBB2_20-.Ltmp1, $4  }
0x15: {  	[hbm4b:s9+s14] =	stream.strided.scatter [tilespmem:s18], [sflag:$0x1], $0x1200, s15, s14, $0x38;
	[tilespmem:$0x7480] =	vst v63  }
0x16: {  	_ =	swait.ge [sflag:s12], $0x1200  }
0x17: {  	[sflag:s12] =	ssyncset.done $0x0  }
0x18: {  	[sflag:s12] =	ssyncadd.s32 $0xFFFFEE00  }
.LBB2_1:
0x19: {  	[tilespmem:s11], [sflag:$0x1] =	stream.linear.gather [hbm4b:s6+s3], $0x80, $0x38;
	[tilespmem:$0x7480] =	vst v63  }
0x1a: {  	_ =	swait.ge [sflag:s12], $0x80  }
0x1b: {  	[sflag:s12] =	ssyncset.done $0x0  }
0x1c: {  	[sflag:s12] =	ssyncadd.s32 $0xFFFFFF80  }
0x1d: {  	[tilespmem:s13], [sflag:$0x1] =	stream.linear.gather [hbm4b:s2+s3], $0x80, $0x38;
	[tilespmem:$0x7480] =	vst v63  }
0x1e: {  	_ =	swait.ge [sflag:s12], $0x80  }
0x1f: {  	[sflag:s12] =	ssyncset.done $0x0  }
0x20: {  	[sflag:s12] =	ssyncadd.s32 $0xFFFFFF80  }
0x21: {  	[tilespmem:s16], [sflag:$0x1] =	stream.strided.gather [hbm4b:s7+s14], $0x100, s15, s14, $0x38;
	[tilespmem:$0x7480] =	vst v63  }
0x22: {  	_ =	swait.ge [sflag:s12], $0x100  }
0x23: {  	[sflag:s12] =	ssyncset.done $0x0  }
0x24: {  	[sflag:s12] =	ssyncadd.s32 $0xFFFFFF00  }
0x25: {  	v3 =	vld [tilespmem:$0x7280]  }
0x26: {  	s20 =	simm.s32 $0x40;
	s21 =	simm.s32 $0x0;
	v4 =	vld [tilespmem:$0x7300]  }
.LBB2_2:
0x27: {  	p0 =	sne.s32 s20, $0x47C0;
	[tilespmem:s21+$0x4E80] =	vst v0;
	s22 =	smov.u32 s20;
	s20 =	sadd.s32 $0x40, s20  }
.Ltmp2:
0x28: {  	[tilespmem:s21+$0x6080] =	vst v1;
	(pc) =	sbr.rel @p0 .LBB2_2-.Ltmp2, $2  }
0x29: {  	_ =	sdelay $0x2  }
0x2a: {  	s21 =	sshra.s32 s22, $0x2  }
.Ltmp3:
0x2b: {  	(pc) =	sbr.rel .LBB2_4-.Ltmp3, $4  }
0x2c: {  	_ = 	snop  }
0x2d: {  	s20 =	simm.s32 $0x0  }
0x2e: {  	[tilespmem:s21+$0x4E80] =	vst v0;
	[smem:$0x0] =	sst s20  }
0x2f: {  	[tilespmem:s21+$0x6080] =	vst v1;
	s22 =	simm.s32 $0x0;
	s21 =	simm.s32 $0x0;
	[smem:$0x1] =	sst s20  }
.LBB2_5:
0x30: {  	s20 =	smov.u32 @p0 s20;
	s22 =	smov.u32 @p0 s22  }
.LBB2_18:
0x31: {  	s21 =	sadd.s32 $0x1, s21  }
0x32: {  	p0 =	sne.s32 s21, $0x9D  }
.Ltmp4:
0x33: {  	_ = 	snop;
	(pc) =	sbr.rel @!p0 .LBB2_19-.Ltmp4, $1  }
0x34: {  	_ =	sdelay $0x3  }
.LBB2_4:
0x35: {  	v5 =	vld [tilespmem:s21+$0x7380];
	_ =	sdelay $0x4  }
0x36: {  	(v2sf) =	vpush v5, $0x0;
	_ =	sdelay $0xc  }
0x37: {  	s23 =	sshll.u32 s21, $0x5  }
0x38: {  	s23 =	sor.u32 s4, s23  }
0x39: {  	p0 =	sgt.u32 s23, $0x1387;
	s24 =	spop (v2sf)  }
0x3a: {  	p1 =	slt.s32 @!p0 s24, $0x1  }
0x3b: {  	p1 =	por p0, p1  }
.Ltmp5:
0x3c: {  	_ = 	snop;
	(pc) =	sbr.rel @p1 .LBB2_5-.Ltmp5, $1  }
0x3d: {  	_ =	sdelay $0x3  }
0x3e: {  	s23 =	smul.u32 $0x9C4, s23;
	_ =	sdelay $0x1  }
.Ltmp6:
0x3f: {  	s24 =	sadd.s32 s5, s23;
	s23 =	simm.s32 $0x0;
	(pc) =	sbr.rel .LBB2_7-.Ltmp6, $4  }
0x40: {  	[tilespmem:s23], [sflag:$0x1] =	stream.linear.gather [hbm4b:s24+s23], $0x4E20, $0x38;
	[tilespmem:$0x7480] =	vst v63  }
0x41: {  	_ =	swait.ge [sflag:s12], $0x4E20  }
0x42: {  	[sflag:s12] =	ssyncset.done $0x0  }
0x43: {  	s25 =	simm.s32 $0x0;
	s24 =	simm.s32 $0x20;
	[sflag:s12] =	ssyncadd.s32 $0xFFFFB1E0  }
.LBB2_17:
0x44: {  	s25 =	sadd.s32 $0x1, s25  }
0x45: {  	p0 =	sne.s32 s25, $0xA  }
.Ltmp7:
0x46: {  	_ = 	snop;
	(pc) =	sbr.rel @!p0 .LBB2_18-.Ltmp7, $2  }
0x47: {  	_ =	sdelay $0x2  }
0x48: {  	s24 =	sadd.s32 $0x7D0, s24;
	s23 =	sadd.s32 $0x7D0, s23  }
.LBB2_7:
0x49: {  	v7 =	vmov s24;
	_ =	sdelay $0x3  }
0x4a: {  	s26 =	simm.s32 $0x0  }
0x4b: {  	v8 =	vld.idx.msk [tilespmem:v7+s26+$0x20 ss:$0x1], $0xffff  }
0x4c: {  	v9 =	vld.idx.msk [tilespmem:v7+s26+$0x10 ss:$0x1], $0xffff  }
0x4d: {  	v10 =	vld.idx.msk [tilespmem:v7+s26+$0x0 ss:$0x1], $0xffff  }
0x4e: {  	v12 =	vld.idx.msk [tilespmem:v7+s26+$0xFFFFFFF0 ss:$0x1], $0xffff  }
0x4f: {  	v11 =	vld.idx.msk [tilespmem:v7+s26+$0xFFFFFFE0 ss:$0x1], $0xffff;
	_ =	sdelay $0x2  }
0x50: {  	v5 =	vimm.s32 $0x0  }
0x51: {  	v6 =	vimm.s32 $0x0;
	s26 =	simm.s32 $0x140;
	v13 =	vshra.s32 v9, $0x1F;
	v14 =	vshra.s32 v8, $0x1F  }
.LBB2_8:
0x52: {  	p0 =	sne.s32 s26, $0x1E00;
	v15 =	vshra.s32 v11, $0x1F;
	v16 =	vshra.s32 v12, $0x1F;
	v17 =	vshra.s32 v10, $0x1F  }
0x53: {  	v13 =	vand.u32 $0x7FFF0000, v13;
	v14 =	vand.u32 $0x7FFF0000, v14;
	v17 =	vand.u32 $0x7FFF0000, v17  }
0x54: {  	v15 =	vand.u32 $0x7FFF0000, v15;
	v16 =	vand.u32 $0x7FFF0000, v16;
	v8 =	vxor.u32 v8, v14  }
0x55: {  	v9 =	vxor.u32 v9, v13;
	v12 =	vxor.u32 v12, v16;
	v10 =	vxor.u32 v10, v17  }
0x56: {  	v11 =	vxor.u32 v11, v15;
	v9 =	vshrl.u32 v9, $0x10;
	v8 =	vshrl.u32 v8, $0x10  }
0x57: {  	v11 =	vshrl.u32 v11, $0x10;
	v12 =	vshrl.u32 v12, $0x10;
	v10 =	vshrl.u32 v10, $0x10  }
0x58: {  	v9 =	vxor.u32 $0x8000, v9;
	v8 =	vxor.u32 $0x8000, v8;
	v10 =	vxor.u32 $0x8000, v10  }
0x59: {  	v11 =	vxor.u32 $0x8000, v11;
	v12 =	vxor.u32 $0x8000, v12;
	vm2 =	vge.s32 v8, v3  }
0x5a: {  	s28 =	sshra.s32 s26, $0x2;
	vm3 =	vge.s32 v9, v3;
	vm1 =	vle.s32 v9, v4;
	vm0 =	vle.s32 v8, v4  }
0x5b: {  	vm4 =	vge.s32 v12, v3;
	vm5 =	vge.s32 v10, v3;
	vm6 =	vle.s32 v10, v4;
	v8 =	vld.idx.msk [tilespmem:v7+s28+$0x20 ss:$0x1], $0xffff  }
0x5c: {  	vm7 =	vge.s32 v11, v3;
	vm8 =	vle.s32 v11, v4;
	vm9 =	vle.s32 v12, v4;
	v9 =	vld.idx.msk [tilespmem:v7+s28+$0x10 ss:$0x1], $0xffff  }
0x5d: {  	v14 =	vsel vm3, $0x1, v2;
	v15 =	vsel vm2, $0x1, v2;
	v13 =	vsel vm5, $0x1, v2;
	v10 =	vld.idx.msk [tilespmem:v7+s28+$0x0 ss:$0x1], $0xffff  }
0x5e: {  	v16 =	vsel vm7, $0x1, v2;
	v17 =	vsel vm8, $0x1, v2;
	v18 =	vsel vm4, $0x1, v2;
	v12 =	vld.idx.msk [tilespmem:v7+s28+$0xFFFFFFF0 ss:$0x1], $0xffff  }
0x5f: {  	v5 =	vadd.s32 v16, v5;
	v6 =	vadd.s32 v17, v6;
	v16 =	vsel vm9, $0x1, v2;
	v11 =	vld.idx.msk [tilespmem:v7+s28+$0xFFFFFFE0 ss:$0x1], $0xffff  }
.Ltmp8:
0x60: {  	v5 =	vadd.s32 v18, v5;
	v6 =	vadd.s32 v16, v6;
	v16 =	vsel vm6, $0x1, v2;
	(pc) =	sbr.rel @p0 .LBB2_8-.Ltmp8, $4  }
0x61: {  	v5 =	vadd.s32 v13, v5;
	v6 =	vadd.s32 v16, v6;
	v13 =	vsel vm1, $0x1, v2  }
0x62: {  	v5 =	vadd.s32 v14, v5;
	v6 =	vadd.s32 v13, v6;
	v13 =	vsel vm0, $0x1, v2  }
0x63: {  	v5 =	vadd.s32 v15, v5;
	v6 =	vadd.s32 v13, v6  }
0x64: {  	s26 =	sadd.s32 $0x140, s26;
	v14 =	vshra.s32 v8, $0x1F;
	v13 =	vshra.s32 v9, $0x1F  }
0x65: {  	v7 =	vshra.s32 v11, $0x1F;
	v15 =	vshra.s32 v10, $0x1F  }
0x66: {  	v16 =	vshra.s32 v12, $0x1F;
	v13 =	vand.u32 $0x7FFF0000, v13;
	v14 =	vand.u32 $0x7FFF0000, v14  }
0x67: {  	v15 =	vand.u32 $0x7FFF0000, v15;
	v7 =	vand.u32 $0x7FFF0000, v7;
	v16 =	vand.u32 $0x7FFF0000, v16  }
0x68: {  	v8 =	vxor.u32 v8, v14;
	v9 =	vxor.u32 v9, v13;
	v55 =	vxor.u32 v12, v16  }
0x69: {  	v56 =	vxor.u32 v10, v15;
	v7 =	vxor.u32 v11, v7;
	v9 =	vshrl.u32 v9, $0x10  }
0x6a: {  	v8 =	vshrl.u32 v8, $0x10;
	v7 =	vshrl.u32 v7, $0x10;
	v10 =	vshrl.u32 v56, $0x10  }
0x6b: {  	v57 =	vshrl.u32 v55, $0x10;
	v9 =	vxor.u32 $0x8000, v9;
	v8 =	vxor.u32 $0x8000, v8  }
0x6c: {  	v10 =	vxor.u32 $0x8000, v10;
	v7 =	vxor.u32 $0x8000, v7;
	v11 =	vxor.u32 $0x8000, v57  }
0x6d: {  	vm0 =	vge.s32 v8, v3;
	vm1 =	vge.s32 v9, v3;
	vm7 =	vge.s32 v7, v3  }
0x6e: {  	vm4 =	vge.s32 v11, v3;
	vm5 =	vge.s32 v10, v3;
	v58 =	vsel vm7, $0x1, v2  }
0x6f: {  	vm6 =	vle.s32 v10, v4;
	v60 =	vsel vm4, $0x1, v2;
	v5 =	vadd.s32 v58, v5  }
0x70: {  	vm8 =	vle.s32 v7, v4;
	v7 =	vsel vm5, $0x1, v2;
	v5 =	vadd.s32 v60, v5  }
0x71: {  	vm9 =	vle.s32 v11, v4;
	v59 =	vsel vm1, $0x1, v2;
	v5 =	vadd.s32 v7, v5  }
0x72: {  	v61 =	vsel vm0, $0x1, v2;
	v62 =	vsel vm8, $0x1, v2;
	v5 =	vadd.s32 v59, v5  }
0x73: {  	v63 =	vsel vm9, $0x1, v2;
	v6 =	vadd.s32 v62, v6;
	v5 =	vadd.s32 v61, v5  }
0x74: {  	vm2 =	vle.s32 v9, v4;
	v6 =	vadd.s32 v63, v6;
	v7 =	vsel vm6, $0x1, v2;
	(xrf0) =	vadd.scan.msk.s32 $0xffff, v5  }
0x75: {  	vm3 =	vle.s32 v8, v4;
	v6 =	vadd.s32 v7, v6;
	v7 =	vsel vm2, $0x1, v2  }
0x76: {  	v6 =	vadd.s32 v7, v6;
	v7 =	vsel vm3, $0x1, v2  }
0x77: {  	v5 =	vadd.s32 v7, v6;
	_ =	sdelay $0x2  }
0x78: {  	(xrf0) =	vadd.scan.msk.s32 $0xffff, v5;
	v5, _, _ =	vpop (xrf0)  }
0x79: {  	(v2sf) =	vpush v5, $0xF;
	_ =	sdelay $0x4  }
0x7a: {  	v5, _, _ =	vpop (xrf0)  }
0x7b: {  	(v2sf) =	vpush v5, $0xF;
	_ =	sdelay $0x8  }
0x7c: {  	s26 =	spop (v2sf)  }
0x7d: {  	p0 =	slt.s32 s26, $0x1  }
.Ltmp9:
0x7e: {  	_ = 	snop;
	(pc) =	sbr.rel @p0 .LBB2_13-.Ltmp9, $2  }
0x7f: {  	_ =	sdelay $0x2  }
0x80: {  	s28 =	simm.s32 $0x0;
	s26 =	spop (v2sf)  }
0x81: {  	s29 =	sshra.s32 s28, $0x2  }
0x82: {  	s29 =	sadd.s32 s29, s23  }
0x83: {  	v5 =	vld [tilespmem:s29+$0x0];
	_ =	sdelay $0x4  }
0x84: {  	v6 =	vshra.s32 v5, $0x1F  }
0x85: {  	v6 =	vand.u32 $0x7FFF0000, v6  }
0x86: {  	v6 =	vxor.u32 v5, v6  }
0x87: {  	v6 =	vshrl.u32 v6, $0x10  }
0x88: {  	v6 =	vxor.u32 $0x8000, v6  }
0x89: {  	vm0 =	vge.s32 v6, v3  }
0x8a: {  	v6 =	vmpcnt.ones.xlane vm0;
	_ =	sdelay $0x1  }
0x8b: {  	v6 =	vxor.u32 $0x80000000, v6  }
0x8c: {  	(xrf0) =	vmax.scan.msk.u32 $0xffff, v6;
	_ =	sdelay $0x2  }
0x8d: {  	p1 =	slt.s32 s22, $0x11F0;
	s28 =	sadd.s32 $0x40, s28  }
.LBB2_11:
0x8e: {  	s30 =	smov.u32 s22  }
0x8f: {  	s29 =	sshra.s32 s28, $0x2;
	p0 =	sne.s32 s28, $0x1F00;
	s30 =	simm.s32 @!p1 $0x11F0  }
0x90: {  	s29 =	sadd.s32 s29, s23;
	[tilespmem:s30+$0x4E80] =	vst.msk vm0, v5;
	v6, _, _ =	vpop (xrf0)  }
0x91: {  	v5 =	vld [tilespmem:s29+$0x0];
	(v2sf) =	vpush v6, $0xF;
	_ =	sdelay $0x4  }
0x92: {  	v6 =	vshra.s32 v5, $0x1F  }
0x93: {  	v6 =	vand.u32 $0x7FFF0000, v6  }
0x94: {  	v6 =	vxor.u32 v5, v6  }
0x95: {  	v6 =	vshrl.u32 v6, $0x10  }
0x96: {  	v6 =	vxor.u32 $0x8000, v6  }
0x97: {  	vm0 =	vge.s32 v6, v3  }
0x98: {  	v6 =	vmpcnt.ones.xlane vm0;
	_ =	sdelay $0x1  }
0x99: {  	v6 =	vxor.u32 $0x80000000, v6  }
.Ltmp10:
0x9a: {  	(xrf0) =	vmax.scan.msk.u32 $0xffff, v6;
	(pc) =	sbr.rel @p0 .LBB2_11-.Ltmp10, $4  }
0x9b: {  	s29 =	spop (v2sf)  }
0x9c: {  	s22 =	sadd.s32 s29, s22  }
0x9d: {  	s22 =	sadd.s32 $0x80000000, s22  }
0x9e: {  	s28 =	sadd.s32 $0x40, s28;
	p1 =	slt.s32 s22, $0x11F0;
	[smem:$0x0] =	sst s22  }
0x9f: {  	_ = 	snop  }
0xa0: {  	v6, _, _ =	vpop (xrf0)  }
0xa1: {  	(v2sf) =	vpush v6, $0xF;
	_ =	sdelay $0xe  }
0xa2: {  	s28 =	spop (v2sf)  }
0xa3: {  	s29 =	smov.u32 s22;
	s31 =	sadd.s32 s28, s22  }
0xa4: {  	s29 =	simm.s32 @!p1 $0x11F0;
	s22 =	sadd.s32 $0x80000000, s31  }
0xa5: {  	[tilespmem:s29+$0x4E80] =	vst.msk vm0, v5;
	[smem:$0x0] =	sst s22  }
.LBB2_13:
0xa6: {  	p0 =	slt.s32 s26, $0x1  }
.Ltmp11:
0xa7: {  	_ = 	snop;
	(pc) =	sbr.rel @p0 .LBB2_17-.Ltmp11, $2  }
0xa8: {  	_ =	sdelay $0x2  }
0xa9: {  	s26 =	simm.s32 $0x0  }
0xaa: {  	s28 =	sshra.s32 s26, $0x2  }
0xab: {  	s28 =	sadd.s32 s28, s23  }
0xac: {  	v5 =	vld [tilespmem:s28+$0x0];
	_ =	sdelay $0x4  }
0xad: {  	v6 =	vshra.s32 v5, $0x1F  }
0xae: {  	v6 =	vand.u32 $0x7FFF0000, v6  }
0xaf: {  	v6 =	vxor.u32 v5, v6  }
0xb0: {  	v6 =	vshrl.u32 v6, $0x10  }
0xb1: {  	v6 =	vxor.u32 $0x8000, v6  }
0xb2: {  	vm0 =	vle.s32 v6, v4  }
0xb3: {  	v6 =	vmpcnt.ones.xlane vm0;
	_ =	sdelay $0x1  }
0xb4: {  	v6 =	vxor.u32 $0x80000000, v6  }
0xb5: {  	(xrf0) =	vmax.scan.msk.u32 $0xffff, v6;
	_ =	sdelay $0x2  }
0xb6: {  	p1 =	slt.s32 s20, $0x11F0;
	s26 =	sadd.s32 $0x40, s26  }
.LBB2_15:
0xb7: {  	s29 =	smov.u32 s20  }
0xb8: {  	s28 =	sshra.s32 s26, $0x2;
	p0 =	sne.s32 s26, $0x1F00;
	s29 =	simm.s32 @!p1 $0x11F0  }
0xb9: {  	s28 =	sadd.s32 s28, s23;
	[tilespmem:s29+$0x6080] =	vst.msk vm0, v5;
	v6, _, _ =	vpop (xrf0)  }
0xba: {  	v5 =	vld [tilespmem:s28+$0x0];
	(v2sf) =	vpush v6, $0xF;
	_ =	sdelay $0x4  }
0xbb: {  	v6 =	vshra.s32 v5, $0x1F  }
0xbc: {  	v6 =	vand.u32 $0x7FFF0000, v6  }
0xbd: {  	v6 =	vxor.u32 v5, v6  }
0xbe: {  	v6 =	vshrl.u32 v6, $0x10  }
0xbf: {  	v6 =	vxor.u32 $0x8000, v6  }
0xc0: {  	vm0 =	vle.s32 v6, v4  }
0xc1: {  	v6 =	vmpcnt.ones.xlane vm0;
	_ =	sdelay $0x1  }
0xc2: {  	v6 =	vxor.u32 $0x80000000, v6  }
.Ltmp12:
0xc3: {  	(xrf0) =	vmax.scan.msk.u32 $0xffff, v6;
	(pc) =	sbr.rel @p0 .LBB2_15-.Ltmp12, $4  }
0xc4: {  	s28 =	spop (v2sf)  }
0xc5: {  	s20 =	sadd.s32 s28, s20  }
0xc6: {  	s20 =	sadd.s32 $0x80000000, s20  }
0xc7: {  	s26 =	sadd.s32 $0x40, s26;
	p1 =	slt.s32 s20, $0x11F0;
	[smem:$0x1] =	sst s20  }
0xc8: {  	_ = 	snop  }
0xc9: {  	v6, _, _ =	vpop (xrf0)  }
0xca: {  	(v2sf) =	vpush v6, $0xF;
	_ =	sdelay $0xd  }
.Ltmp13:
0xcb: {  	_ = 	snop;
	(pc) =	sbr.rel .LBB2_17-.Ltmp13, $4  }
0xcc: {  	s26 =	spop (v2sf)  }
0xcd: {  	s28 =	smov.u32 s20;
	s31 =	sadd.s32 s26, s20  }
0xce: {  	s28 =	simm.s32 @!p1 $0x11F0;
	s20 =	sadd.s32 $0x80000000, s31  }
0xcf: {  	[tilespmem:s28+$0x6080] =	vst.msk vm0, v5;
	[smem:$0x1] =	sst s20  }
.LBB2_20:
0xd0: {  	_ =	sfence.sel $0x180000  }
0xd1: {  	[bflag:$0x0] =	sbarrier.arrive $0xFFFF  }
0xd2: {  	p0 =	sne.s32 s1, $0x0;
	_ =	strace $0x9000004A  }
0xd3: {  	s0 =	sadd.s32 @!p0 $0x100000, s0;
	[bflag:$0x2] =	sbarrier.arrive $0xFFFF  }
0xd4: {  	[sflag:s0] =	ssyncadd.tile.s32 @!p0 $0x1;
	_ =	shalt  }
.Lfunc_end2:
_tile_overlayer_lowered:
.L_overlay_start_2:
0xd5: {  	(tag) =	ssettag $0x2  }
0xd6: {  	s0 =	rddreg [dreg:$0x0];
	s2 =	stileid.u32  }
0xd7: {  	s1 =	rddreg [dreg:$0x1];
	p0 =	sne.s32 s2, $0x0  }
0xd8: {  	s3 =	rddreg [dreg:$0x2];
	[bflag:$0x3] =	sbarrier.arrive $0xFFFF;
	s2 =	simm.s32 @!p0 $0x1C01  }
0xd9: {  	[timem:s3], [sflag:s2] =	dma.local @!p0 [hbm:s0], s1  }
0xda: {  	s0 =	simm.s32 @!p0 $0x1  }
0xdb: {  	_ =	swait.ge @!p0 [sflag:s0], s1  }
0xdc: {  	s1 =	ssub.s32 @!p0 $0x0, s1;
	[sflag:s0] =	ssyncset.done @!p0 $0x0  }
0xdd: {  	[sflag:s0] =	ssyncadd.s32 @!p0 s1  }
0xde: {  	[bflag:$0x3] =	sbarrier.arrive $0xFFFF  }
0xdf: {  	_ =	shalt  }

// kernel: kernel.7.cloned.1.call-start
scs
__scs_entry_jumppad:
0x0: {  	(pc) =	sbr.rel $0x88, $3  }
0x1: {  	(tag) =	ssettag $0x0;
	lr =	simm.s32 $0x1  }
0x2: {  	[smem:$0x3F9F] =	sst lr;
	_ =	strace $0xD0000000  }
0x3: {  	_ = 	snop  }
0x4: {  	_ = 	snop  }
0x5: {  	_ = 	snop  }
0x6: {  	_ = 	snop  }
0x7: {  	_ = 	snop  }
__scs_overlays_trampoline_lowered:
0x8: {  	[smem:$0x3FAE] =	sst s0  }
0x9: {  	[smem:$0x3FAF] =	sst s1  }
0xa: {  	[smem:$0x3FB0] =	sst s2  }
0xb: {  	[smem:$0x3FB1] =	sst s3  }
0xc: {  	[smem:$0x3FB2] =	sst s4  }
0xd: {  	[smem:$0x3FB3] =	sst s5  }
0xe: {  	[smem:$0x3FB4] =	sst s6  }
0xf: {  	[smem:$0x3FB5] =	sst s7  }
0x10: {  	[smem:$0x3FB6] =	sst s8  }
0x11: {  	[smem:$0x3FB7] =	sst s9;
	s0 =	simm.s32 @!p0 $0x0  }
0x12: {  	s1 =	sld [smem:$0x3F9D];
	s0 =	simm.s32 @p0 $0x1  }
0x13: {  	[smem:$0x3FB8] =	sst s0;
	s0 =	simm.s32 @!p1 $0x0  }
0x14: {  	s2 =	sld [smem:$0x3F9C];
	s0 =	simm.s32 @p1 $0x1  }
0x15: {  	[smem:$0x3FB9] =	sst s0;
	s0 =	simm.s32 @!p2 $0x0  }
0x16: {  	s3 =	sld [smem:$0x3FDB];
	s0 =	simm.s32 @p2 $0x1  }
0x17: {  	s4 =	simm.s32 $0x1BF5;
	[smem:$0x3FBB] =	sst s0  }
0x18: {  	s0 =	sld [smem:$0x3F9E];
	_ =	swait.ge [sflag:s4], $0x0  }
0x19: {  	s7 =	sld [smem:$0x3F9F]  }
0x1a: {  	s8 =	sadd.s32 $0xFFFFE003, lr  }
0x1b: {  	s9 =	sadd.s32 $0xFFFFFEF7, lr;
	s5 =	simm.s32 $0xFFFFFFFF;
	p2 =	slt.u32 s8, $0xFFFFF086  }
0x1c: {  	p1 =	slt.u32 s9, $0xF7A;
	s5 =	simm.s32 @!p2 $0x0  }
0x1d: {  	s5 =	simm.s32 @p1 $0x1;
	p0 =	seq.s32 s7, s2  }
0x1e: {  	s7 =	smul.u32 @!p0 $0xF7A, s2;
	p2 =	seq.s32 @!p0 s5, $0x0  }
0x1f: {  	s9 =	smul.u32 $0xF7A, s1;
	s8 =	simm.s32 @!p0 $0x1BF5;
	p2 =	por !p2, p0  }
0x20: {  	[sflag:s8] =	ssyncset.s32 @!p0 $0xFFFFF086;
	s6 =	sadd.s32 @!p0 s3, s7;
	s7 =	simm.s32 @!p0 $0x108  }
0x21: {  	s3 =	sadd.s32 s3, s9;
	s6 =	sadd.s32 @!p0 $0x88, s6;
	s7 =	simm.s32 @p2 $0x1082  }
0x22: {  	[simem:s7], [sflag:s8] =	dma.local @!p0 [hbm:s6], $0xF7A  }
0x23: {  	s9 =	sor.u32 $0xD0000000, s2;
	s6 =	simm.s32 $0x108;
	_ =	swait.ge @!p0 [sflag:s8], $0x0  }
0x24: {  	s3 =	sadd.s32 $0x88, s3;
	s6 =	simm.s32 @!p1 $0x1082;
	[sflag:s4] =	ssyncset.s32 $0xFFFFF086  }
0x25: {  	[simem:s6], [sflag:s4] =	dma.local [hbm:s3], $0xF7A  }
0x26: {  	[smem:$0x3F9F] =	sst s1;
	(tag) =	ssettag s2;
	_ =	strace s9  }
0x27: {  	s1 =	sld [smem:$0x3FAF]  }
0x28: {  	s2 =	sld [smem:$0x3FB0]  }
0x29: {  	s4 =	sld [smem:$0x3FB2]  }
0x2a: {  	p0 =	seq.s32 s5, $0x0;
	s5 =	sld [smem:$0x3FB3]  }
0x2b: {  	s6 =	sld [smem:$0x3FB4]  }
0x2c: {  	s7 =	sld [smem:$0x3FB5]  }
0x2d: {  	s3 =	simm.s32 $0x108;
	s8 =	sld [smem:$0x3FB6]  }
0x2e: {  	s3 =	simm.s32 @!p0 $0x1082;
	s9 =	sld [smem:$0x3FB7]  }
0x2f: {  	lr =	sadd.s32 s0, s3;
	s0 =	sld [smem:$0x3FAE]  }
0x30: {  	s3 =	sld [smem:$0x3FB1]  }
0x31: {  	[smem:$0x3FBA] =	sst s10  }
0x32: {  	s10 =	sld [smem:$0x3FB8];
	_ =	sdelay $0x3  }
0x33: {  	p0 =	seq.s32 s10, $0x1;
	s10 =	sld [smem:$0x3FBA];
	_ =	sdelay $0x3  }
0x34: {  	[smem:$0x3FBA] =	sst s10  }
0x35: {  	s10 =	sld [smem:$0x3FB9];
	_ =	sdelay $0x3  }
0x36: {  	p1 =	seq.s32 s10, $0x1;
	s10 =	sld [smem:$0x3FBA];
	_ =	sdelay $0x3  }
0x37: {  	[smem:$0x3FBA] =	sst s10  }
0x38: {  	s10 =	sld [smem:$0x3FBB]  }
0x39: {  	_ = 	snop;
	(pc) =	sbr.ind lr, $3  }
0x3a: {  	_ = 	snop  }
0x3b: {  	_ = 	snop  }
0x3c: {  	p2 =	seq.s32 s10, $0x1;
	s10 =	sld [smem:$0x3FBA]  }
0x3d: {  	_ =	shalt  }
0x3e: {  	_ =	shalt  }
0x3f: {  	_ =	shalt  }
0x40: {  	_ =	shalt  }
0x41: {  	_ =	shalt  }
0x42: {  	_ =	shalt  }
0x43: {  	_ =	shalt  }
0x44: {  	_ =	shalt  }
0x45: {  	_ =	shalt  }
0x46: {  	_ =	shalt  }
0x47: {  	_ =	shalt  }
0x48: {  	_ =	shalt  }
0x49: {  	_ =	shalt  }
0x4a: {  	_ =	shalt  }
0x4b: {  	_ =	shalt  }
0x4c: {  	_ =	shalt  }
0x4d: {  	_ =	shalt  }
0x4e: {  	_ =	shalt  }
0x4f: {  	_ =	shalt  }
0x50: {  	_ =	shalt  }
0x51: {  	_ =	shalt  }
0x52: {  	_ =	shalt  }
0x53: {  	_ =	shalt  }
0x54: {  	_ =	shalt  }
0x55: {  	_ =	shalt  }
0x56: {  	_ =	shalt  }
0x57: {  	_ =	shalt  }
0x58: {  	_ =	shalt  }
0x59: {  	_ =	shalt  }
0x5a: {  	_ =	shalt  }
0x5b: {  	_ =	shalt  }
0x5c: {  	_ =	shalt  }
0x5d: {  	_ =	shalt  }
0x5e: {  	_ =	shalt  }
0x5f: {  	_ =	shalt  }
0x60: {  	_ =	shalt  }
0x61: {  	_ =	shalt  }
0x62: {  	_ =	shalt  }
0x63: {  	_ =	shalt  }
0x64: {  	_ =	shalt  }
0x65: {  	_ =	shalt  }
0x66: {  	_ =	shalt  }
0x67: {  	_ =	shalt  }
0x68: {  	_ =	shalt  }
0x69: {  	_ =	shalt  }
0x6a: {  	_ =	shalt  }
0x6b: {  	_ =	shalt  }
0x6c: {  	_ =	shalt  }
0x6d: {  	_ =	shalt  }
0x6e: {  	_ =	shalt  }
0x6f: {  	_ =	shalt  }
0x70: {  	_ =	shalt  }
0x71: {  	_ =	shalt  }
0x72: {  	_ =	shalt  }
0x73: {  	_ =	shalt  }
0x74: {  	_ =	shalt  }
0x75: {  	_ =	shalt  }
0x76: {  	_ =	shalt  }
0x77: {  	_ =	shalt  }
0x78: {  	_ =	shalt  }
0x79: {  	_ =	shalt  }
0x7a: {  	_ =	shalt  }
0x7b: {  	_ =	shalt  }
0x7c: {  	_ =	shalt  }
0x7d: {  	_ =	shalt  }
0x7e: {  	_ =	shalt  }
0x7f: {  	_ =	shalt  }
0x80: {  	_ =	shalt  }
0x81: {  	_ =	shalt  }
0x82: {  	_ =	shalt  }
0x83: {  	_ =	shalt  }
0x84: {  	_ =	shalt  }
0x85: {  	_ =	shalt  }
0x86: {  	_ =	shalt  }
0x87: {  	_ =	shalt  }
.Lfunc_end0:
.L_simem_size_0:
called_computation_lowered:
.L_overlay_start_0:
0x88: {  	s2 =	sld [smem:$0x3FD9]  }
0x89: {  	s3 =	sld [smem:$0x3FFE];
	_ =	sdelay $0x1  }
0x8a: {  	s1 =	srdreg.scid  }
0x8b: {  	s0 =	sand.u32 $0x1, s1  }
0x8c: {  	s16 =	sshll.u32 s0, $0xA;
	s2 =	sadd.s32 s3, s2  }
0x8d: {  	s2 =	sadd.s32 s2, s16  }
0x8e: {  	[smem:$0x3FC6] =	sst s2  }
0x8f: {  	_ = 	snop  }
0x90: {  	(tm) =	ssettm $0x1  }
0x91: {  	s17 =	sld [smem:$0x3FFB];
	_ =	sdelay $0x3  }
0x92: {  	_ =	strace s17  }
0x93: {  	s2 =	sld [smem:$0x3FFC];
	_ =	sdelay $0x3  }
0x94: {  	_ =	strace s2  }
0x95: {  	s2 =	sld [smem:$0x3FFD];
	_ =	sdelay $0x3  }
0x96: {  	_ =	strace s2  }
0x97: {  	_ =	strace $0x8FFFFFFF  }
0x98: {  	s18 =	sld [smem:$0x3FDB];
	_ =	sdelay $0x1  }
0x99: {  	s19 =	simm.s32 $_scs_section_size  }
0x9a: {  	s4 =	simm.s32 $_size__tile_overlayer_lowered;
	s5 =	simm.s32 $_tile_overlayer_lowered  }
0x9b: {  	s22 =	simm.s32 $0x1BFF;
	s21 =	sshll.u32 s5, $0x1;
	s2 =	sadd.s32 s19, s18  }
0x9c: {  	s6 =	simm.s32 $0x0;
	s20 =	sshll.u32 s4, $0x1;
	s4 =	sadd.s32 s21, s2  }
0x9d: {  	[timem:s6], [sflag:s22] =	dma.local [hbm:s4], s20  }
0x9e: {  	_ =	swait.ge [sflag:s22], s20  }
0x9f: {  	s3 =	ssub.s32 $0x0, s20;
	[sflag:s22] =	ssyncset.done $0x0  }
0xa0: {  	[sflag:s22] =	ssyncadd.s32 s3;
	_ =	sdelay $0x1  }
0xa1: {  	s23 =	simm.s32 $0x1B8B  }
0xa2: {  	_ =	swait.ge [sflag:s23], $0x1  }
0xa3: {  	[sflag:s23] =	ssyncset.done $0x0  }
0xa4: {  	s25 =	simm.s32 $0x1B8E;
	s24 =	sld [smem:$0x3FFE];
	[sflag:s23] =	ssyncadd.s32 $0xFFFFFFFF  }
0xa5: {  	s26 =	simm.s32 $execute0_lowered;
	[smem:$0x3FD2] =	sst s25  }
0xa6: {  	s4 =	sshll.u32 s26, $0x1;
	_ =	strace $0x80000046;
	[dreg:$0x1] =	wrdreg $0xFFFFFFFF  }
0xa7: {  	s28 =	simm.s32 $_size_execute0_lowered;
	s2 =	sadd.s32 s2, s4;
	[dreg:$0x0] =	wrdreg $0x0  }
0xa8: {  	s4 =	sshll.u32 s28, $0x1;
	[dreg:$0x2] =	wrdreg s2  }
0xa9: {  	[dreg:$0x3] =	wrdreg s4  }
0xaa: {  	[dreg:$0x4] =	wrdreg $0xC0  }
0xab: {  	_ =	task [dreg:s6], $0x5FFFF  }
0xac: {  	[dreg:$0x1] =	wrdreg $0xFFFFFFFF  }
0xad: {  	[dreg:$0x0] =	wrdreg $0x60  }
0xae: {  	[dreg:$0x2] =	wrdreg s24  }
0xaf: {  	[dreg:$0x3] =	wrdreg $0x9  }
0xb0: {  	_ =	task.clear_ibuf [dreg:s6], $0x4FFFF;
	_ =	strace $0x90000046  }
0xb1: {  	s29 =	simm.s32 $0x9;
	_ =	strace $0x80000048  }
0xb2: {  	_ =	swait.ge [sflag:s29], $0x1  }
0xb3: {  	[sflag:s29] =	ssyncadd.s32 $0xFFFFFFFF  }
0xb4: {  	_ =	strace $0x90000048  }
0xb5: {  	_ =	sfence  }
0xb6: {  	s30 =	sld [smem:$0x0];
	_ =	sdelay $0x2  }
0xb7: {  	s31 =	sshll.u32 s1, $0xD;
	s1 =	sshrl.u32 s1, $0x2  }
0xb8: {  	s3 =	sand.u32 $0x4000, s31;
	s1 =	sadd.s32 s1, s30  }
0xb9: {  	s0 =	sor.u32 s3, s0;
	s1 =	sshll.u32 s1, $0x11  }
0xba: {  	s0 =	sor.u32 s1, s0  }
0xbb: {  	s0 =	sadd.s32 $0x8F2B, s0  }
0xbc: {  	[sflag:s0] =	ssyncadd.remote.s32 $0x1  }
0xbd: {  	_ =	sfence.sel $0xFFFF  }
0xbe: {  	[dreg:$0x0] =	wrdreg $0xFFFFFFFF;
	(pc) =	sbr.abs _section_cstart, $3  }
0xbf: {  	[dreg:$0x1] =	wrdreg $0xFFFFFFFF  }
0xc0: {  	_ =	task.clear_ibuf [dreg:s6], $0x2FFFF;
	_ =	strace $0x9FFFFFFF  }
0xc1: {  	(tm) =	ssettm $0x7FFFFFFF  }
tec
execute0_lowered:
.L_overlay_start_1:
0x0: {  	(tag) =	ssettag $0x1  }
0x1: {  	s5 =	rddreg [dreg:$0x0]  }
0x2: {  	s0 =	rddreg [dreg:$0x1]  }
0x3: {  	s3 =	srdreg.scid;
	s1 =	stileid.u32  }
0x4: {  	s2 =	simm.s32 $0x0;
	s10 =	simm.s32 $0x1;
	s11 =	simm.s32 $0x80  }
0x5: {  	s12 =	simm.s32 $0x400;
	s13 =	simm.s32 $0x14E80;
	s14 =	simm.s32 $0x14F80  }
0x6: {  	s15 =	simm.s32 $0x0;
	s6 =	sand.u32 $0x1, s3;
	s29 =	sshll.u32 s1, $0x1  }
0x7: {  	[smem:$0x7FF] =	sst s2;
	s4 =	sshrl.u32 s1, $0x2;
	s3 =	sor.u32 s6, s29  }
0x8: {  	_ =	strace $0x80000047;
	s8 =	sshll.u32 s4, $0x13;
	s7 =	sshll.u32 s3, $0x7  }
0x9: {  	s9 =	sshll.u32 s4, $0xB;
	s4 =	sadd.s32 $0xC10600, s5;
	s7 =	sand.u32 $0x380, s7  }
.Ltmp0:
0xa: {  	s6 =	ssub.s32 $0x2, s6;
	s8 =	sor.u32 s8, s7;
	(pc) =	sbr.rel .LBB2_1-.Ltmp0, $4  }
0xb: {  	s30 =	sshrl.u32 s6, $0x1;
	s7 =	sor.u32 s9, s7;
	s8 =	sshrl.u32 s8, $0x3  }
0xc: {  	s31 =	ssub.s32 s6, s30;
	s7 =	sshrl.u32 s7, $0x3;
	s8 =	sadd.s32 s8, s5  }
0xd: {  	v0 =	vimm.f32 $0.0e+00;
	s9 =	simm.s32 $0x10000;
	s7 =	sadd.s32 s7, s5;
	s5 =	sadd.s32 $0x2600, s8  }
0xe: {  	v1 =	vimm.f32 $-Inf;
	v2 =	vimm.f32 $+Inf;
	v3 =	vimm.f32 $1.000000000e+00;
	s6 =	sadd.s32 $0x42600, s7;
	s7 =	sadd.s32 $0x42A00, s7;
	s8 =	smax.u32 s31, $0x1  }
.LBB2_9:
0xf: {  	[hbm4b:s5+s11] =	stream.strided.scatter [tilespmem:s2], [sflag:$0x1], $0x10000, s12, s11, $0x38;
	[tilespmem:$0x15080] =	vst v63  }
0x10: {  	_ =	swait.ge [sflag:s10], $0x10000  }
0x11: {  	[sflag:s10] =	ssyncset.done $0x0  }
0x12: {  	[sflag:s10] =	ssyncadd.s32 $0xFFFF0000  }
0x13: {  	[hbm4b:s6+s11] =	stream.strided.scatter [tilespmem:s13], [sflag:$0x1], $0x100, s12, s11, $0x38;
	[tilespmem:$0x15080] =	vst v63  }
0x14: {  	s15 =	sadd.s32 $0x1, s15;
	_ =	swait.ge [sflag:s10], $0x100  }
0x15: {  	p0 =	sne.s32 s15, s8;
	[sflag:s10] =	ssyncset.done $0x0  }
.Ltmp1:
0x16: {  	[sflag:s10] =	ssyncadd.s32 $0xFFFFFF00;
	(pc) =	sbr.rel @!p0 .LBB2_10-.Ltmp1, $4  }
0x17: {  	[hbm4b:s7+s11] =	stream.strided.scatter [tilespmem:s14], [sflag:$0x1], $0x100, s12, s11, $0x38;
	[tilespmem:$0x15080] =	vst v63  }
0x18: {  	_ =	swait.ge [sflag:s10], $0x100  }
0x19: {  	[sflag:s10] =	ssyncset.done $0x0  }
0x1a: {  	[sflag:s10] =	ssyncadd.s32 $0xFFFFFF00  }
.LBB2_1:
0x1b: {  	s16 =	simm.s32 $0x40;
	s17 =	simm.s32 $0x0  }
.LBB2_2:
0x1c: {  	p0 =	sne.s32 s16, $0x3FFC0;
	[tilespmem:s17+$0x0] =	vst v0;
	s17 =	smov.u32 s16;
	s16 =	sadd.s32 $0x40, s16  }
.Ltmp2:
0x1d: {  	(pc) =	sbr.rel @p0 .LBB2_2-.Ltmp2, $2  }
0x1e: {  	_ =	sdelay $0x2  }
0x1f: {  	s17 =	sshra.s32 s17, $0x2  }
0x20: {  	[tilespmem:s17+$0x0] =	vst v0  }
0x21: {  	[tilespmem:$0x14E80] =	vst v1  }
0x22: {  	[tilespmem:$0x14F80] =	vst v2  }
0x23: {  	[tilespmem:$0x14E90] =	vst v1  }
0x24: {  	[tilespmem:$0x14F90] =	vst v2  }
0x25: {  	[tilespmem:$0x14EA0] =	vst v1  }
0x26: {  	[tilespmem:$0x14FA0] =	vst v2  }
0x27: {  	[tilespmem:$0x14EB0] =	vst v1  }
0x28: {  	[tilespmem:$0x14FB0] =	vst v2  }
0x29: {  	[tilespmem:$0x14EC0] =	vst v1  }
0x2a: {  	[tilespmem:$0x14FC0] =	vst v2  }
0x2b: {  	[tilespmem:$0x14ED0] =	vst v1  }
0x2c: {  	[tilespmem:$0x14FD0] =	vst v2  }
0x2d: {  	[tilespmem:$0x14EE0] =	vst v1  }
0x2e: {  	[tilespmem:$0x14FE0] =	vst v2  }
0x2f: {  	[tilespmem:$0x14EF0] =	vst v1  }
0x30: {  	[tilespmem:$0x14FF0] =	vst v2  }
0x31: {  	[tilespmem:$0x14F00] =	vst v1  }
.Ltmp3:
0x32: {  	[tilespmem:$0x15000] =	vst v2;
	(pc) =	sbr.rel .LBB2_4-.Ltmp3, $4  }
0x33: {  	[tilespmem:$0x14F10] =	vst v1  }
0x34: {  	[tilespmem:$0x15010] =	vst v2  }
0x35: {  	[tilespmem:$0x14F20] =	vst v1  }
0x36: {  	s16 =	simm.s32 $0x0;
	[tilespmem:$0x15020] =	vst v2  }
.LBB2_8:
0x37: {  	s16 =	sadd.s32 $0x1, s16  }
0x38: {  	p0 =	sne.s32 s16, $0x9D  }
.Ltmp4:
0x39: {  	_ = 	snop;
	(pc) =	sbr.rel @!p0 .LBB2_9-.Ltmp4, $1  }
0x3a: {  	_ =	sdelay $0x3  }
.LBB2_4:
0x3b: {  	s17 =	sshll.u32 s16, $0x5  }
0x3c: {  	s17 =	sor.u32 s3, s17  }
0x3d: {  	p0 =	sgt.u32 s17, $0x1387  }
.Ltmp5:
0x3e: {  	_ = 	snop;
	(pc) =	sbr.rel @p0 .LBB2_8-.Ltmp5, $1  }
0x3f: {  	_ =	sdelay $0x3  }
0x40: {  	s17 =	smul.u32 $0x9C4, s17;
	_ =	sdelay $0x1  }
0x41: {  	s18 =	sadd.s32 s4, s17;
	s17 =	simm.s32 $0x0  }
0x42: {  	[tilespmem:s9], [sflag:$0x1] =	stream.linear.gather [hbm4b:s18+s17], $0x4E20, $0x38;
	[tilespmem:$0x15080] =	vst v63  }
0x43: {  	_ =	swait.ge [sflag:s10], $0x4E20  }
0x44: {  	[sflag:s10] =	ssyncset.done $0x0  }
0x45: {  	v5 =	vimm.f32 $-Inf;
	v4 =	vimm.f32 $+Inf;
	s18 =	simm.s32 $0x10050;
	[sflag:s10] =	ssyncadd.s32 $0xFFFFB1E0  }
.LBB2_6:
0x46: {  	v6 =	vld [tilespmem:s18+$0xFFFFFFB0];
	_ =	sdelay $0x4  }
0x47: {  	v7 =	vshra.s32 v6, $0x1F  }
0x48: {  	v7 =	vand.u32 $0x7FFF0000, v7  }
0x49: {  	v7 =	vxor.u32 v6, v7  }
0x4a: {  	v7 =	vshrl.u32 v7, $0x10  }
0x4b: {  	v7 =	vxor.u32 $0x8000, v7;
	_ =	sdelay $0x4  }
0x4c: {  	[tilespmem:v7+s2+$0x0] =	vst.idx.add.f32.msk $0xffff, v3  }
0x4d: {  	v7 =	vld [tilespmem:s18+$0xFFFFFFC0];
	_ =	sdelay $0x4  }
0x4e: {  	v8 =	vshra.s32 v7, $0x1F  }
0x4f: {  	v8 =	vand.u32 $0x7FFF0000, v8  }
0x50: {  	v8 =	vxor.u32 v7, v8  }
0x51: {  	v8 =	vshrl.u32 v8, $0x10  }
0x52: {  	v8 =	vxor.u32 $0x8000, v8;
	_ =	sdelay $0x4  }
0x53: {  	[tilespmem:v8+s2+$0x0] =	vst.idx.add.f32.msk $0xffff, v3  }
0x54: {  	v8 =	vld [tilespmem:s18+$0xFFFFFFD0];
	_ =	sdelay $0x4  }
0x55: {  	v9 =	vshra.s32 v8, $0x1F  }
0x56: {  	v9 =	vand.u32 $0x7FFF0000, v9  }
0x57: {  	v9 =	vxor.u32 v8, v9  }
0x58: {  	v9 =	vshrl.u32 v9, $0x10  }
0x59: {  	v9 =	vxor.u32 $0x8000, v9;
	_ =	sdelay $0x4  }
0x5a: {  	[tilespmem:v9+s2+$0x0] =	vst.idx.add.f32.msk $0xffff, v3  }
0x5b: {  	v9 =	vld [tilespmem:s18+$0xFFFFFFE0];
	_ =	sdelay $0x4  }
0x5c: {  	v10 =	vshra.s32 v9, $0x1F  }
0x5d: {  	v10 =	vand.u32 $0x7FFF0000, v10  }
0x5e: {  	v10 =	vxor.u32 v9, v10  }
0x5f: {  	v10 =	vshrl.u32 v10, $0x10  }
0x60: {  	v10 =	vxor.u32 $0x8000, v10;
	_ =	sdelay $0x4  }
0x61: {  	[tilespmem:v10+s2+$0x0] =	vst.idx.add.f32.msk $0xffff, v3  }
0x62: {  	v10 =	vld [tilespmem:s18+$0xFFFFFFF0];
	_ =	sdelay $0x4  }
0x63: {  	v11 =	vshra.s32 v10, $0x1F  }
0x64: {  	v11 =	vand.u32 $0x7FFF0000, v11  }
0x65: {  	v11 =	vxor.u32 v10, v11  }
0x66: {  	v11 =	vshrl.u32 v11, $0x10  }
0x67: {  	v11 =	vxor.u32 $0x8000, v11;
	_ =	sdelay $0x4  }
0x68: {  	[tilespmem:v11+s2+$0x0] =	vst.idx.add.f32.msk $0xffff, v3  }
0x69: {  	v11 =	vld [tilespmem:s18+$0x0];
	_ =	sdelay $0x4  }
0x6a: {  	v12 =	vshra.s32 v11, $0x1F  }
0x6b: {  	v12 =	vand.u32 $0x7FFF0000, v12  }
0x6c: {  	v12 =	vxor.u32 v11, v12  }
0x6d: {  	v12 =	vshrl.u32 v12, $0x10  }
0x6e: {  	v12 =	vxor.u32 $0x8000, v12;
	_ =	sdelay $0x4  }
0x6f: {  	[tilespmem:v12+s2+$0x0] =	vst.idx.add.f32.msk $0xffff, v3  }
0x70: {  	v12 =	vld [tilespmem:s18+$0x10];
	_ =	sdelay $0x4  }
0x71: {  	v13 =	vshra.s32 v12, $0x1F  }
0x72: {  	v13 =	vand.u32 $0x7FFF0000, v13  }
0x73: {  	v13 =	vxor.u32 v12, v13  }
0x74: {  	v13 =	vshrl.u32 v13, $0x10  }
0x75: {  	v13 =	vxor.u32 $0x8000, v13;
	_ =	sdelay $0x4  }
0x76: {  	[tilespmem:v13+s2+$0x0] =	vst.idx.add.f32.msk $0xffff, v3  }
0x77: {  	v13 =	vld [tilespmem:s18+$0x20];
	_ =	sdelay $0x4  }
0x78: {  	v14 =	vshra.s32 v13, $0x1F  }
0x79: {  	v14 =	vand.u32 $0x7FFF0000, v14  }
0x7a: {  	v14 =	vxor.u32 v13, v14  }
0x7b: {  	v14 =	vshrl.u32 v14, $0x10  }
0x7c: {  	v14 =	vxor.u32 $0x8000, v14;
	_ =	sdelay $0x4  }
0x7d: {  	s19 =	sand.u32 $0x7FE0, s17;
	[tilespmem:v14+s2+$0x0] =	vst.idx.add.f32.msk $0xffff, v3  }
0x7e: {  	v14 =	vld [tilespmem:s19+$0x10080];
	_ =	sdelay $0x4  }
0x7f: {  	v15 =	vshra.s32 v14, $0x1F  }
0x80: {  	v15 =	vand.u32 $0x7FFF0000, v15  }
0x81: {  	v15 =	vxor.u32 v14, v15  }
0x82: {  	v15 =	vshrl.u32 v15, $0x10  }
0x83: {  	v15 =	vxor.u32 $0x8000, v15;
	_ =	sdelay $0x4  }
0x84: {  	[tilespmem:v15+s2+$0x0] =	vst.idx.add.f32.msk $0xffff, v3  }
0x85: {  	v15 =	vld [tilespmem:s18+$0x40];
	_ =	sdelay $0x4  }
0x86: {  	v5 =	vmax.f32 v5, v6;
	v4 =	vmin.f32 v4, v6;
	v6 =	vshra.s32 v15, $0x1F  }
0x87: {  	v5 =	vmax.f32 v5, v7;
	v4 =	vmin.f32 v4, v7;
	v6 =	vand.u32 $0x7FFF0000, v6  }
0x88: {  	v5 =	vmax.f32 v5, v8;
	v4 =	vmin.f32 v4, v8;
	v6 =	vxor.u32 v15, v6  }
0x89: {  	v5 =	vmax.f32 v5, v9;
	v4 =	vmin.f32 v4, v9;
	v6 =	vshrl.u32 v6, $0x10  }
0x8a: {  	p0 =	sne.s32 s17, $0x4D80;
	v5 =	vmax.f32 v5, v10;
	v4 =	vmin.f32 v4, v10;
	v6 =	vxor.u32 $0x8000, v6  }
.Ltmp6:
0x8b: {  	v5 =	vmax.f32 v5, v11;
	v4 =	vmin.f32 v4, v11;
	(pc) =	sbr.rel @p0 .LBB2_6-.Ltmp6, $4  }
0x8c: {  	v5 =	vmax.f32 v5, v12;
	v4 =	vmin.f32 v4, v12  }
0x8d: {  	v5 =	vmax.f32 v5, v13;
	v4 =	vmin.f32 v4, v13  }
0x8e: {  	v5 =	vmax.f32 v5, v14;
	v4 =	vmin.f32 v4, v14  }
0x8f: {  	s17 =	sadd.s32 $0xA0, s17;
	s18 =	sadd.s32 $0xA0, s18;
	v5 =	vmax.f32 v5, v15;
	v4 =	vmin.f32 v4, v15;
	[tilespmem:v6+s2+$0x0] =	vst.idx.add.f32.msk $0xffff, v3  }
0x90: {  	(xrf0) =	vmax.scan.msk.f32 $0xffff, v5  }
0x91: {  	(xrf0) =	vmin.scan.msk.f32 $0xffff, v4;
	_ =	sdelay $0x4  }
.Ltmp7:
0x92: {  	v4, _, _ =	vpop (xrf0);
	(pc) =	sbr.rel .LBB2_8-.Ltmp7, $4  }
0x93: {  	v4 =	vbroadcast v4, $0xF;
	v5, _, _ =	vpop (xrf0)  }
0x94: {  	v5 =	vbroadcast v5, $0xF  }
0x95: {  	[tilespmem:s16+$0x14E80] =	vst.msk $0x1, v4  }
0x96: {  	[tilespmem:s16+$0x14F80] =	vst.msk $0x1, v5  }
.LBB2_10:
0x97: {  	_ =	sfence.sel $0x180000  }
0x98: {  	[bflag:$0x0] =	sbarrier.arrive $0xFFFF  }
0x99: {  	p0 =	sne.s32 s1, $0x0;
	_ =	strace $0x90000047  }
0x9a: {  	s0 =	sadd.s32 @!p0 $0x100000, s0;
	[bflag:$0x2] =	sbarrier.arrive $0xFFFF  }
0x9b: {  	[sflag:s0] =	ssyncadd.tile.s32 @!p0 $0x1;
	_ =	shalt  }
.Lfunc_end2:
_tile_overlayer_lowered:
.L_overlay_start_2:
0x9c: {  	(tag) =	ssettag $0x2  }
0x9d: {  	s0 =	rddreg [dreg:$0x0];
	s2 =	stileid.u32  }
0x9e: {  	s1 =	rddreg [dreg:$0x1];
	p0 =	sne.s32 s2, $0x0  }
0x9f: {  	s3 =	rddreg [dreg:$0x2];
	[bflag:$0x3] =	sbarrier.arrive $0xFFFF;
	s2 =	simm.s32 @!p0 $0x1C01  }
0xa0: {  	[timem:s3], [sflag:s2] =	dma.local @!p0 [hbm:s0], s1  }
0xa1: {  	s0 =	simm.s32 @!p0 $0x1  }
0xa2: {  	_ =	swait.ge @!p0 [sflag:s0], s1  }
0xa3: {  	s1 =	ssub.s32 @!p0 $0x0, s1;
	[sflag:s0] =	ssyncset.done @!p0 $0x0  }
0xa4: {  	[sflag:s0] =	ssyncadd.s32 @!p0 s1  }
0xa5: {  	[bflag:$0x3] =	sbarrier.arrive $0xFFFF  }
0xa6: {  	_ =	shalt  }

</sc_bundles>
